<compile_context>
chip_gen: v7x
topology: tpu7x:2x2x1
jax: 0.10.2.dev20260603
libtpu: 0.0.44.dev20260713+nightly
codegen_flags: <defaults>
</compile_context>

<pallas_src>
import functools

import jax
import jax.numpy as jnp
from jax import lax
from jax.experimental import pallas as pl
from jax.experimental.pallas import tpu as pltpu
from jax.experimental.pallas import tpu_sc as plsc

_NUM_CORES = 2
_NUM_SUBCORES = 16
_NW = _NUM_CORES * _NUM_SUBCORES
_LANES = 16
_CHUNK = 4096


def _embedding_lookup_t(subject_ids, table_t):
    embed_dim, num_rows = table_t.shape
    batch, = subject_ids.shape
    feats_per_w = embed_dim // _NW
    n_chunks = batch // _CHUNK
    groups = _CHUNK // _LANES

    mesh = plsc.VectorSubcoreMesh(core_axis_name="c", subcore_axis_name="s")

    @functools.partial(
        pl.kernel,
        mesh=mesh,
        out_type=jax.ShapeDtypeStruct((embed_dim, batch), jnp.float32),
        scratch_types=[
            pltpu.VMEM((num_rows,), jnp.float32),
            pltpu.VMEM((batch,), jnp.int32),
            pltpu.VMEM((2, _CHUNK), jnp.float32),
            pltpu.SemaphoreType.DMA,
            pltpu.SemaphoreType.DMA,
            pltpu.SemaphoreType.DMA,
        ],
        compiler_params=pltpu.CompilerParams(needs_layout_passes=False),
    )
    def lookup(ids_hbm, table_hbm, out_hbm, row_v, idx_v, val_v,
               sem_i, sem_r, sem_w):
        wid = lax.axis_index("s") * _NUM_CORES + lax.axis_index("c")
        ids_cp = pltpu.make_async_copy(ids_hbm, idx_v, sem_i)
        ids_cp.start()
        row_cp0 = pltpu.make_async_copy(
            table_hbm.at[wid * feats_per_w], row_v, sem_r
        )
        row_cp0.start()
        ids_cp.wait()
        pending = []
        for k in range(feats_per_w):
            j = wid * feats_per_w + k
            if k == 0:
                row_cp0.wait()
            else:
                pltpu.make_async_copy(table_hbm.at[j], row_v, sem_r).wait()
            for c in range(n_chunks):
                buf = c % 2
                if len(pending) >= 2:
                    pending.pop(0).wait()

                @plsc.parallel_loop(0, groups, unroll=8)
                def _gather(g, _c=c, _buf=buf):
                    vec = idx_v[pl.ds(_c * _CHUNK + g * _LANES, _LANES)]
                    val_v[_buf, pl.ds(g * _LANES, _LANES)] = plsc.load_gather(
                        row_v, [vec]
                    )

                last_row = k == feats_per_w - 1 and c == n_chunks - 1
                if c == n_chunks - 1 and not last_row:
                    pltpu.make_async_copy(
                        table_hbm.at[j + 1], row_v, sem_r
                    ).start()
                w = pltpu.make_async_copy(
                    val_v.at[buf],
                    out_hbm.at[j, pl.ds(c * _CHUNK, _CHUNK)],
                    sem_w,
                )
                w.start()
                pending.append(w)
        while pending:
            pending.pop(0).wait()

    return lookup(subject_ids, table_t)


def kernel(subject_ids, embedding_weight):
    out_t = _embedding_lookup_t(
        subject_ids.astype(jnp.int32), embedding_weight.T
    )
    return out_t.T

# --- scband reference (transcript-rebuilt; emitter-appended) ---
"""Pipeline reference for scband-subject-embedding-52974126629151 (READ-ONLY COPY).

The authoritative reference and input builder live on the scoring server;
editing this copy changes nothing except your own understanding.
"""

import jax, jax.numpy as jnp
import numpy as np

NUM_SUBJECTS = 100000
EMBED_DIM = 64
BATCH = 16384

def setup_inputs(seed: int = 0) -> dict:
    key = jax.random.key(seed)
    k1, k2 = jax.random.split(key)
    subject_ids = jax.random.randint(k1, (BATCH,), 0, NUM_SUBJECTS, dtype=jnp.int64) if jax.config.jax_enable_x64 else jax.random.randint(k1, (BATCH,), 0, NUM_SUBJECTS, dtype=jnp.int32)
    embedding_weight = jax.random.normal(k2, (NUM_SUBJECTS, EMBED_DIM), dtype=jnp.float32) * 0.02
    return {"subject_ids": subject_ids, "embedding_weight": embedding_weight}

def reference(subject_ids, embedding_weight):
    # embeds = self.embedding(subject_ids)  -> gather rows
    embeds = jnp.take(embedding_weight, subject_ids, axis=0)
    # dropout is identity in eval/inference mode
    return embeds

if __name__ == "__main__":
    import jax
    _d = setup_inputs()
    print(jax.jit(kernel)(*tuple(_d.values())))

</pallas_src>

<mosaic_0001>
#map = affine_map<(d0, d1) -> (0)>
#map1 = affine_map<(d0, d1) -> (0, 0)>
module attributes {stable_mosaic.version = 14 : i64} {
  func.func @lookup(%arg0: i32, %arg1: i32, %arg2: memref<16384xi32, #tpu.memory_space<hbm>>, %arg3: memref<64x100000xf32, #tpu.memory_space<hbm>>, %arg4: memref<64x16384xf32, #tpu.memory_space<hbm>>, %arg5: memref<100000xf32, #tpu.memory_space<vmem>>, %arg6: memref<16384xi32, #tpu.memory_space<vmem>>, %arg7: memref<2x4096xf32, #tpu.memory_space<vmem>>, %arg8: memref<!tpu.dma_semaphore, #tpu.memory_space<semaphore_mem>>, %arg9: memref<!tpu.dma_semaphore, #tpu.memory_space<semaphore_mem>>, %arg10: memref<!tpu.dma_semaphore, #tpu.memory_space<semaphore_mem>>) attributes {dimension_semantics = [#tpu.dimension_semantics<core_parallel>, #tpu.dimension_semantics<subcore_parallel>], iteration_bounds = array<i64: 2, 16>, scalar_prefetch = 0 : i64, scratch_operands = 6 : i64, tpu.core_type = #tpu.core_type<sc_vector_subcore>, window_params = [{transform_indices = #map}, {transform_indices = #map1}, {transform_indices = #map1}]} {
    %mul3A = arith.constant 2 : i32
    %mul3A_0 = arith.muli %arg1, %mul3A : i32
    %add3A = arith.addi %mul3A_0, %arg0 : i32
    tpu.enqueue_dma source(%arg2 : memref<16384xi32, #tpu.memory_space<hbm>>) target(%arg6 : memref<16384xi32, #tpu.memory_space<vmem>>) target_semaphore(%arg8 : memref<!tpu.dma_semaphore, #tpu.memory_space<semaphore_mem>>)
    %mul3A_1 = arith.constant 2 : i32
    %mul3A_2 = arith.muli %add3A, %mul3A_1 : i32
    %dma_start3A = arith.constant 0 : i32
    %dma_start3A_3 = tpu.memref_slice %arg3[%mul3A_2, %dma_start3A] : memref<64x100000xf32, #tpu.memory_space<hbm>> -> memref<1x100000xf32, #tpu.memory_space<hbm>>
    %dma_start3A_4 = tpu.memref_squeeze %dma_start3A_3 : memref<1x100000xf32, #tpu.memory_space<hbm>> -> memref<100000xf32, #tpu.memory_space<hbm>>
    %dma_start3A_5 = arith.constant 0 : i32
    %dma_start3A_6 = tpu.memref_slice %arg3[%mul3A_2, %dma_start3A_5] : memref<64x100000xf32, #tpu.memory_space<hbm>> -> memref<1x100000xf32, #tpu.memory_space<hbm>>
    %dma_start3A_7 = tpu.memref_squeeze %dma_start3A_6 : memref<1x100000xf32, #tpu.memory_space<hbm>> -> memref<100000xf32, #tpu.memory_space<hbm>>
    tpu.enqueue_dma source(%dma_start3A_7 : memref<100000xf32, #tpu.memory_space<hbm>>) target(%arg5 : memref<100000xf32, #tpu.memory_space<vmem>>) target_semaphore(%arg9 : memref<!tpu.dma_semaphore, #tpu.memory_space<semaphore_mem>>)
    tpu.wait_dma2 semaphore(%arg8 : memref<!tpu.dma_semaphore, #tpu.memory_space<semaphore_mem>>) src(%arg2 : memref<16384xi32, #tpu.memory_space<hbm>>) dst(%arg6 : memref<16384xi32, #tpu.memory_space<vmem>>)
    %mul3A_8 = arith.constant 2 : i32
    %mul3A_9 = arith.muli %add3A, %mul3A_8 : i32
    %add3A_10 = arith.constant 0 : i32
    %add3A_11 = arith.addi %mul3A_9, %add3A_10 : i32
    %dma_wait3A = arith.constant 0 : i32
    %dma_wait3A_12 = tpu.memref_slice %arg3[%mul3A_2, %dma_wait3A] : memref<64x100000xf32, #tpu.memory_space<hbm>> -> memref<1x100000xf32, #tpu.memory_space<hbm>>
    %dma_wait3A_13 = tpu.memref_squeeze %dma_wait3A_12 : memref<1x100000xf32, #tpu.memory_space<hbm>> -> memref<100000xf32, #tpu.memory_space<hbm>>
    %dma_wait3A_14 = arith.constant 0 : i32
    %dma_wait3A_15 = tpu.memref_slice %arg3[%mul3A_2, %dma_wait3A_14] : memref<64x100000xf32, #tpu.memory_space<hbm>> -> memref<1x100000xf32, #tpu.memory_space<hbm>>
    %dma_wait3A_16 = tpu.memref_squeeze %dma_wait3A_15 : memref<1x100000xf32, #tpu.memory_space<hbm>> -> memref<100000xf32, #tpu.memory_space<hbm>>
    tpu.wait_dma2 semaphore(%arg9 : memref<!tpu.dma_semaphore, #tpu.memory_space<semaphore_mem>>) src(%dma_wait3A_16 : memref<100000xf32, #tpu.memory_space<hbm>>) dst(%arg5 : memref<100000xf32, #tpu.memory_space<vmem>>)
    %parallel_loop3A = arith.constant 0 : i32
    %parallel_loop3A_17 = arith.constant 256 : i32
    %parallel_loop3A_18 = arith.constant 1 : i32
    scf.for %parallel_loop3A_266 = %parallel_loop3A to %parallel_loop3A_17 step %parallel_loop3A_18  : i32 {
      %parallel_loop3A_267 = arith.constant 16 : i32
      %parallel_loop3A_268 = arith.muli %parallel_loop3A_266, %parallel_loop3A_267 : i32
      %parallel_loop3A_269 = arith.constant 0 : i32
      %parallel_loop3A_270 = arith.addi %parallel_loop3A_269, %parallel_loop3A_268 : i32
      %parallel_loop3A_271 = arith.index_cast %parallel_loop3A_270 : i32 to index
      %parallel_loop3A_272 = tpu.vector_load %arg6[%parallel_loop3A_271] {strides = array<i32>} : memref<16384xi32, #tpu.memory_space<vmem>>, vector<16xi32>,
      %parallel_loop3A_273 = tpu.vector_load_idx %arg5[%parallel_loop3A_272] : memref<100000xf32, #tpu.memory_space<vmem>>[vector<16xi32>], vector<16xf32>,
      %parallel_loop3A_274 = arith.constant 16 : i32
      %parallel_loop3A_275 = arith.muli %parallel_loop3A_266, %parallel_loop3A_274 : i32
      %parallel_loop3A_276 = arith.constant 0 : i32
      %parallel_loop3A_277 = arith.index_cast %parallel_loop3A_276 : i32 to index
      %parallel_loop3A_278 = arith.index_cast %parallel_loop3A_275 : i32 to index
      %parallel_loop3A_279 = tpu.vector_load %arg7[%parallel_loop3A_277, %parallel_loop3A_278] {strides = array<i32>} : memref<2x4096xf32, #tpu.memory_space<vmem>>, vector<16xf32>,
      tpu.vector_store %arg7[%parallel_loop3A_277, %parallel_loop3A_278], %parallel_loop3A_273 {strides = array<i32>} : memref<2x4096xf32, #tpu.memory_space<vmem>>, vector<16xf32>,
    } {sc.loop_unroll_factor = 8 : i64, sc.parallel_access}
    %dma_start3A_19 = arith.constant 0 : i32
    %dma_start3A_20 = arith.constant 0 : i32
    %dma_start3A_21 = tpu.memref_slice %arg7[%dma_start3A_19, %dma_start3A_20] : memref<2x4096xf32, #tpu.memory_space<vmem>> -> memref<1x4096xf32, #tpu.memory_space<vmem>>
    %dma_start3A_22 = tpu.memref_squeeze %dma_start3A_21 : memref<1x4096xf32, #tpu.memory_space<vmem>> -> memref<4096xf32, #tpu.memory_space<vmem>>
    %dma_start3A_23 = arith.constant 0 : i32
    %dma_start3A_24 = tpu.memref_slice %arg4[%add3A_11, %dma_start3A_23] : memref<64x16384xf32, #tpu.memory_space<hbm>> -> memref<1x4096xf32, #tpu.memory_space<hbm>>
    %dma_start3A_25 = tpu.memref_squeeze %dma_start3A_24 : memref<1x4096xf32, #tpu.memory_space<hbm>> -> memref<4096xf32, #tpu.memory_space<hbm>>
    %dma_start3A_26 = arith.constant 0 : i32
    %dma_start3A_27 = tpu.memref_slice %arg4[%add3A_11, %dma_start3A_26] : memref<64x16384xf32, #tpu.memory_space<hbm>> -> memref<1x4096xf32, #tpu.memory_space<hbm>>
    %dma_start3A_28 = tpu.memref_squeeze %dma_start3A_27 : memref<1x4096xf32, #tpu.memory_space<hbm>> -> memref<4096xf32, #tpu.memory_space<hbm>>
    %dma_start3A_29 = arith.constant 0 : i32
    %dma_start3A_30 = tpu.memref_slice %arg7[%dma_start3A_19, %dma_start3A_29] : memref<2x4096xf32, #tpu.memory_space<vmem>> -> memref<1x4096xf32, #tpu.memory_space<vmem>>
    %dma_start3A_31 = tpu.memref_squeeze %dma_start3A_30 : memref<1x4096xf32, #tpu.memory_space<vmem>> -> memref<4096xf32, #tpu.memory_space<vmem>>
    tpu.enqueue_dma source(%dma_start3A_31 : memref<4096xf32, #tpu.memory_space<vmem>>) target(%dma_start3A_28 : memref<4096xf32, #tpu.memory_space<hbm>>) target_semaphore(%arg10 : memref<!tpu.dma_semaphore, #tpu.memory_space<semaphore_mem>>)
    %parallel_loop3A_32 = arith.constant 0 : i32
    %parallel_loop3A_33 = arith.constant 256 : i32
    %parallel_loop3A_34 = arith.constant 1 : i32
    scf.for %parallel_loop3A_266 = %parallel_loop3A_32 to %parallel_loop3A_33 step %parallel_loop3A_34  : i32 {
      %parallel_loop3A_267 = arith.constant 16 : i32
      %parallel_loop3A_268 = arith.muli %parallel_loop3A_266, %parallel_loop3A_267 : i32
      %parallel_loop3A_269 = arith.constant 4096 : i32
      %parallel_loop3A_270 = arith.addi %parallel_loop3A_269, %parallel_loop3A_268 : i32
      %parallel_loop3A_271 = arith.index_cast %parallel_loop3A_270 : i32 to index
      %parallel_loop3A_272 = tpu.vector_load %arg6[%parallel_loop3A_271] {strides = array<i32>} : memref<16384xi32, #tpu.memory_space<vmem>>, vector<16xi32>,
      %parallel_loop3A_273 = tpu.vector_load_idx %arg5[%parallel_loop3A_272] : memref<100000xf32, #tpu.memory_space<vmem>>[vector<16xi32>], vector<16xf32>,
      %parallel_loop3A_274 = arith.constant 16 : i32
      %parallel_loop3A_275 = arith.muli %parallel_loop3A_266, %parallel_loop3A_274 : i32
      %parallel_loop3A_276 = arith.constant 1 : i32
      %parallel_loop3A_277 = arith.index_cast %parallel_loop3A_276 : i32 to index
      %parallel_loop3A_278 = arith.index_cast %parallel_loop3A_275 : i32 to index
      %parallel_loop3A_279 = tpu.vector_load %arg7[%parallel_loop3A_277, %parallel_loop3A_278] {strides = array<i32>} : memref<2x4096xf32, #tpu.memory_space<vmem>>, vector<16xf32>,
      tpu.vector_store %arg7[%parallel_loop3A_277, %parallel_loop3A_278], %parallel_loop3A_273 {strides = array<i32>} : memref<2x4096xf32, #tpu.memory_space<vmem>>, vector<16xf32>,
    } {sc.loop_unroll_factor = 8 : i64, sc.parallel_access}
    %dma_start3A_35 = arith.constant 1 : i32
    %dma_start3A_36 = arith.constant 0 : i32
    %dma_start3A_37 = tpu.memref_slice %arg7[%dma_start3A_35, %dma_start3A_36] : memref<2x4096xf32, #tpu.memory_space<vmem>> -> memref<1x4096xf32, #tpu.memory_space<vmem>>
    %dma_start3A_38 = tpu.memref_squeeze %dma_start3A_37 : memref<1x4096xf32, #tpu.memory_space<vmem>> -> memref<4096xf32, #tpu.memory_space<vmem>>
    %dma_start3A_39 = arith.constant 4096 : i32
    %dma_start3A_40 = tpu.memref_slice %arg4[%add3A_11, %dma_start3A_39] : memref<64x16384xf32, #tpu.memory_space<hbm>> -> memref<1x4096xf32, #tpu.memory_space<hbm>>
    %dma_start3A_41 = tpu.memref_squeeze %dma_start3A_40 : memref<1x4096xf32, #tpu.memory_space<hbm>> -> memref<4096xf32, #tpu.memory_space<hbm>>
    %dma_start3A_42 = arith.constant 4096 : i32
    %dma_start3A_43 = tpu.memref_slice %arg4[%add3A_11, %dma_start3A_42] : memref<64x16384xf32, #tpu.memory_space<hbm>> -> memref<1x4096xf32, #tpu.memory_space<hbm>>
    %dma_start3A_44 = tpu.memref_squeeze %dma_start3A_43 : memref<1x4096xf32, #tpu.memory_space<hbm>> -> memref<4096xf32, #tpu.memory_space<hbm>>
    %dma_start3A_45 = arith.constant 0 : i32
    %dma_start3A_46 = tpu.memref_slice %arg7[%dma_start3A_35, %dma_start3A_45] : memref<2x4096xf32, #tpu.memory_space<vmem>> -> memref<1x4096xf32, #tpu.memory_space<vmem>>
    %dma_start3A_47 = tpu.memref_squeeze %dma_start3A_46 : memref<1x4096xf32, #tpu.memory_space<vmem>> -> memref<4096xf32, #tpu.memory_space<vmem>>
    tpu.enqueue_dma source(%dma_start3A_47 : memref<4096xf32, #tpu.memory_space<vmem>>) target(%dma_start3A_44 : memref<4096xf32, #tpu.memory_space<hbm>>) target_semaphore(%arg10 : memref<!tpu.dma_semaphore, #tpu.memory_space<semaphore_mem>>)
    %dma_wait3A_48 = arith.constant 0 : i32
    %dma_wait3A_49 = arith.constant 0 : i32
    %dma_wait3A_50 = tpu.memref_slice %arg7[%dma_wait3A_48, %dma_wait3A_49] : memref<2x4096xf32, #tpu.memory_space<vmem>> -> memref<1x4096xf32, #tpu.memory_space<vmem>>
    %dma_wait3A_51 = tpu.memref_squeeze %dma_wait3A_50 : memref<1x4096xf32, #tpu.memory_space<vmem>> -> memref<4096xf32, #tpu.memory_space<vmem>>
    %dma_wait3A_52 = arith.constant 0 : i32
    %dma_wait3A_53 = tpu.memref_slice %arg4[%add3A_11, %dma_wait3A_52] : memref<64x16384xf32, #tpu.memory_space<hbm>> -> memref<1x4096xf32, #tpu.memory_space<hbm>>
    %dma_wait3A_54 = tpu.memref_squeeze %dma_wait3A_53 : memref<1x4096xf32, #tpu.memory_space<hbm>> -> memref<4096xf32, #tpu.memory_space<hbm>>
    %dma_wait3A_55 = arith.constant 0 : i32
    %dma_wait3A_56 = tpu.memref_slice %arg4[%add3A_11, %dma_wait3A_55] : memref<64x16384xf32, #tpu.memory_space<hbm>> -> memref<1x4096xf32, #tpu.memory_space<hbm>>
    %dma_wait3A_57 = tpu.memref_squeeze %dma_wait3A_56 : memref<1x4096xf32, #tpu.memory_space<hbm>> -> memref<4096xf32, #tpu.memory_space<hbm>>
    %dma_wait3A_58 = arith.constant 0 : i32
    %dma_wait3A_59 = tpu.memref_slice %arg7[%dma_wait3A_48, %dma_wait3A_58] : memref<2x4096xf32, #tpu.memory_space<vmem>> -> memref<1x4096xf32, #tpu.memory_space<vmem>>
    %dma_wait3A_60 = tpu.memref_squeeze %dma_wait3A_59 : memref<1x4096xf32, #tpu.memory_space<vmem>> -> memref<4096xf32, #tpu.memory_space<vmem>>
    tpu.wait_dma2 semaphore(%arg10 : memref<!tpu.dma_semaphore, #tpu.memory_space<semaphore_mem>>) src(%dma_wait3A_60 : memref<4096xf32, #tpu.memory_space<vmem>>) dst(%dma_wait3A_57 : memref<4096xf32, #tpu.memory_space<hbm>>)
    %parallel_loop3A_61 = arith.constant 0 : i32
    %parallel_loop3A_62 = arith.constant 256 : i32
    %parallel_loop3A_63 = arith.constant 1 : i32
    scf.for %parallel_loop3A_266 = %parallel_loop3A_61 to %parallel_loop3A_62 step %parallel_loop3A_63  : i32 {
      %parallel_loop3A_267 = arith.constant 16 : i32
      %parallel_loop3A_268 = arith.muli %parallel_loop3A_266, %parallel_loop3A_267 : i32
      %parallel_loop3A_269 = arith.constant 8192 : i32
      %parallel_loop3A_270 = arith.addi %parallel_loop3A_269, %parallel_loop3A_268 : i32
      %parallel_loop3A_271 = arith.index_cast %parallel_loop3A_270 : i32 to index
      %parallel_loop3A_272 = tpu.vector_load %arg6[%parallel_loop3A_271] {strides = array<i32>} : memref<16384xi32, #tpu.memory_space<vmem>>, vector<16xi32>,
      %parallel_loop3A_273 = tpu.vector_load_idx %arg5[%parallel_loop3A_272] : memref<100000xf32, #tpu.memory_space<vmem>>[vector<16xi32>], vector<16xf32>,
      %parallel_loop3A_274 = arith.constant 16 : i32
      %parallel_loop3A_275 = arith.muli %parallel_loop3A_266, %parallel_loop3A_274 : i32
      %parallel_loop3A_276 = arith.constant 0 : i32
      %parallel_loop3A_277 = arith.index_cast %parallel_loop3A_276 : i32 to index
      %parallel_loop3A_278 = arith.index_cast %parallel_loop3A_275 : i32 to index
      %parallel_loop3A_279 = tpu.vector_load %arg7[%parallel_loop3A_277, %parallel_loop3A_278] {strides = array<i32>} : memref<2x4096xf32, #tpu.memory_space<vmem>>, vector<16xf32>,
      tpu.vector_store %arg7[%parallel_loop3A_277, %parallel_loop3A_278], %parallel_loop3A_273 {strides = array<i32>} : memref<2x4096xf32, #tpu.memory_space<vmem>>, vector<16xf32>,
    } {sc.loop_unroll_factor = 8 : i64, sc.parallel_access}
    %dma_start3A_64 = arith.constant 0 : i32
    %dma_start3A_65 = arith.constant 0 : i32
    %dma_start3A_66 = tpu.memref_slice %arg7[%dma_start3A_64, %dma_start3A_65] : memref<2x4096xf32, #tpu.memory_space<vmem>> -> memref<1x4096xf32, #tpu.memory_space<vmem>>
    %dma_start3A_67 = tpu.memref_squeeze %dma_start3A_66 : memref<1x4096xf32, #tpu.memory_space<vmem>> -> memref<4096xf32, #tpu.memory_space<vmem>>
    %dma_start3A_68 = arith.constant 8192 : i32
    %dma_start3A_69 = tpu.memref_slice %arg4[%add3A_11, %dma_start3A_68] : memref<64x16384xf32, #tpu.memory_space<hbm>> -> memref<1x4096xf32, #tpu.memory_space<hbm>>
    %dma_start3A_70 = tpu.memref_squeeze %dma_start3A_69 : memref<1x4096xf32, #tpu.memory_space<hbm>> -> memref<4096xf32, #tpu.memory_space<hbm>>
    %dma_start3A_71 = arith.constant 8192 : i32
    %dma_start3A_72 = tpu.memref_slice %arg4[%add3A_11, %dma_start3A_71] : memref<64x16384xf32, #tpu.memory_space<hbm>> -> memref<1x4096xf32, #tpu.memory_space<hbm>>
    %dma_start3A_73 = tpu.memref_squeeze %dma_start3A_72 : memref<1x4096xf32, #tpu.memory_space<hbm>> -> memref<4096xf32, #tpu.memory_space<hbm>>
    %dma_start3A_74 = arith.constant 0 : i32
    %dma_start3A_75 = tpu.memref_slice %arg7[%dma_start3A_64, %dma_start3A_74] : memref<2x4096xf32, #tpu.memory_space<vmem>> -> memref<1x4096xf32, #tpu.memory_space<vmem>>
    %dma_start3A_76 = tpu.memref_squeeze %dma_start3A_75 : memref<1x4096xf32, #tpu.memory_space<vmem>> -> memref<4096xf32, #tpu.memory_space<vmem>>
    tpu.enqueue_dma source(%dma_start3A_76 : memref<4096xf32, #tpu.memory_space<vmem>>) target(%dma_start3A_73 : memref<4096xf32, #tpu.memory_space<hbm>>) target_semaphore(%arg10 : memref<!tpu.dma_semaphore, #tpu.memory_space<semaphore_mem>>)
    %dma_wait3A_77 = arith.constant 1 : i32
    %dma_wait3A_78 = arith.constant 0 : i32
    %dma_wait3A_79 = tpu.memref_slice %arg7[%dma_wait3A_77, %dma_wait3A_78] : memref<2x4096xf32, #tpu.memory_space<vmem>> -> memref<1x4096xf32, #tpu.memory_space<vmem>>
    %dma_wait3A_80 = tpu.memref_squeeze %dma_wait3A_79 : memref<1x4096xf32, #tpu.memory_space<vmem>> -> memref<4096xf32, #tpu.memory_space<vmem>>
    %dma_wait3A_81 = arith.constant 4096 : i32
    %dma_wait3A_82 = tpu.memref_slice %arg4[%add3A_11, %dma_wait3A_81] : memref<64x16384xf32, #tpu.memory_space<hbm>> -> memref<1x4096xf32, #tpu.memory_space<hbm>>
    %dma_wait3A_83 = tpu.memref_squeeze %dma_wait3A_82 : memref<1x4096xf32, #tpu.memory_space<hbm>> -> memref<4096xf32, #tpu.memory_space<hbm>>
    %dma_wait3A_84 = arith.constant 4096 : i32
    %dma_wait3A_85 = tpu.memref_slice %arg4[%add3A_11, %dma_wait3A_84] : memref<64x16384xf32, #tpu.memory_space<hbm>> -> memref<1x4096xf32, #tpu.memory_space<hbm>>
    %dma_wait3A_86 = tpu.memref_squeeze %dma_wait3A_85 : memref<1x4096xf32, #tpu.memory_space<hbm>> -> memref<4096xf32, #tpu.memory_space<hbm>>
    %dma_wait3A_87 = arith.constant 0 : i32
    %dma_wait3A_88 = tpu.memref_slice %arg7[%dma_wait3A_77, %dma_wait3A_87] : memref<2x4096xf32, #tpu.memory_space<vmem>> -> memref<1x4096xf32, #tpu.memory_space<vmem>>
    %dma_wait3A_89 = tpu.memref_squeeze %dma_wait3A_88 : memref<1x4096xf32, #tpu.memory_space<vmem>> -> memref<4096xf32, #tpu.memory_space<vmem>>
    tpu.wait_dma2 semaphore(%arg10 : memref<!tpu.dma_semaphore, #tpu.memory_space<semaphore_mem>>) src(%dma_wait3A_89 : memref<4096xf32, #tpu.memory_space<vmem>>) dst(%dma_wait3A_86 : memref<4096xf32, #tpu.memory_space<hbm>>)
    %parallel_loop3A_90 = arith.constant 0 : i32
    %parallel_loop3A_91 = arith.constant 256 : i32
    %parallel_loop3A_92 = arith.constant 1 : i32
    scf.for %parallel_loop3A_266 = %parallel_loop3A_90 to %parallel_loop3A_91 step %parallel_loop3A_92  : i32 {
      %parallel_loop3A_267 = arith.constant 16 : i32
      %parallel_loop3A_268 = arith.muli %parallel_loop3A_266, %parallel_loop3A_267 : i32
      %parallel_loop3A_269 = arith.constant 12288 : i32
      %parallel_loop3A_270 = arith.addi %parallel_loop3A_269, %parallel_loop3A_268 : i32
      %parallel_loop3A_271 = arith.index_cast %parallel_loop3A_270 : i32 to index
      %parallel_loop3A_272 = tpu.vector_load %arg6[%parallel_loop3A_271] {strides = array<i32>} : memref<16384xi32, #tpu.memory_space<vmem>>, vector<16xi32>,
      %parallel_loop3A_273 = tpu.vector_load_idx %arg5[%parallel_loop3A_272] : memref<100000xf32, #tpu.memory_space<vmem>>[vector<16xi32>], vector<16xf32>,
      %parallel_loop3A_274 = arith.constant 16 : i32
      %parallel_loop3A_275 = arith.muli %parallel_loop3A_266, %parallel_loop3A_274 : i32
      %parallel_loop3A_276 = arith.constant 1 : i32
      %parallel_loop3A_277 = arith.index_cast %parallel_loop3A_276 : i32 to index
      %parallel_loop3A_278 = arith.index_cast %parallel_loop3A_275 : i32 to index
      %parallel_loop3A_279 = tpu.vector_load %arg7[%parallel_loop3A_277, %parallel_loop3A_278] {strides = array<i32>} : memref<2x4096xf32, #tpu.memory_space<vmem>>, vector<16xf32>,
      tpu.vector_store %arg7[%parallel_loop3A_277, %parallel_loop3A_278], %parallel_loop3A_273 {strides = array<i32>} : memref<2x4096xf32, #tpu.memory_space<vmem>>, vector<16xf32>,
    } {sc.loop_unroll_factor = 8 : i64, sc.parallel_access}
    %add3A_93 = arith.constant 1 : i32
    %add3A_94 = arith.addi %add3A_11, %add3A_93 : i32
    %dma_start3A_95 = arith.constant 0 : i32
    %dma_start3A_96 = tpu.memref_slice %arg3[%add3A_94, %dma_start3A_95] : memref<64x100000xf32, #tpu.memory_space<hbm>> -> memref<1x100000xf32, #tpu.memory_space<hbm>>
    %dma_start3A_97 = tpu.memref_squeeze %dma_start3A_96 : memref<1x100000xf32, #tpu.memory_space<hbm>> -> memref<100000xf32, #tpu.memory_space<hbm>>
    %dma_start3A_98 = arith.constant 0 : i32
    %dma_start3A_99 = tpu.memref_slice %arg3[%add3A_94, %dma_start3A_98] : memref<64x100000xf32, #tpu.memory_space<hbm>> -> memref<1x100000xf32, #tpu.memory_space<hbm>>
    %dma_start3A_100 = tpu.memref_squeeze %dma_start3A_99 : memref<1x100000xf32, #tpu.memory_space<hbm>> -> memref<100000xf32, #tpu.memory_space<hbm>>
    tpu.enqueue_dma source(%dma_start3A_100 : memref<100000xf32, #tpu.memory_space<hbm>>) target(%arg5 : memref<100000xf32, #tpu.memory_space<vmem>>) target_semaphore(%arg9 : memref<!tpu.dma_semaphore, #tpu.memory_space<semaphore_mem>>)
    %dma_start3A_101 = arith.constant 1 : i32
    %dma_start3A_102 = arith.constant 0 : i32
    %dma_start3A_103 = tpu.memref_slice %arg7[%dma_start3A_101, %dma_start3A_102] : memref<2x4096xf32, #tpu.memory_space<vmem>> -> memref<1x4096xf32, #tpu.memory_space<vmem>>
    %dma_start3A_104 = tpu.memref_squeeze %dma_start3A_103 : memref<1x4096xf32, #tpu.memory_space<vmem>> -> memref<4096xf32, #tpu.memory_space<vmem>>
    %dma_start3A_105 = arith.constant 12288 : i32
    %dma_start3A_106 = tpu.memref_slice %arg4[%add3A_11, %dma_start3A_105] : memref<64x16384xf32, #tpu.memory_space<hbm>> -> memref<1x4096xf32, #tpu.memory_space<hbm>>
    %dma_start3A_107 = tpu.memref_squeeze %dma_start3A_106 : memref<1x4096xf32, #tpu.memory_space<hbm>> -> memref<4096xf32, #tpu.memory_space<hbm>>
    %dma_start3A_108 = arith.constant 12288 : i32
    %dma_start3A_109 = tpu.memref_slice %arg4[%add3A_11, %dma_start3A_108] : memref<64x16384xf32, #tpu.memory_space<hbm>> -> memref<1x4096xf32, #tpu.memory_space<hbm>>
    %dma_start3A_110 = tpu.memref_squeeze %dma_start3A_109 : memref<1x4096xf32, #tpu.memory_space<hbm>> -> memref<4096xf32, #tpu.memory_space<hbm>>
    %dma_start3A_111 = arith.constant 0 : i32
    %dma_start3A_112 = tpu.memref_slice %arg7[%dma_start3A_101, %dma_start3A_111] : memref<2x4096xf32, #tpu.memory_space<vmem>> -> memref<1x4096xf32, #tpu.memory_space<vmem>>
    %dma_start3A_113 = tpu.memref_squeeze %dma_start3A_112 : memref<1x4096xf32, #tpu.memory_space<vmem>> -> memref<4096xf32, #tpu.memory_space<vmem>>
    tpu.enqueue_dma source(%dma_start3A_113 : memref<4096xf32, #tpu.memory_space<vmem>>) target(%dma_start3A_110 : memref<4096xf32, #tpu.memory_space<hbm>>) target_semaphore(%arg10 : memref<!tpu.dma_semaphore, #tpu.memory_space<semaphore_mem>>)
    %mul3A_114 = arith.constant 2 : i32
    %mul3A_115 = arith.muli %add3A, %mul3A_114 : i32
    %add3A_116 = arith.constant 1 : i32
    %add3A_117 = arith.addi %mul3A_115, %add3A_116 : i32
    %dma_wait3A_118 = arith.constant 0 : i32
    %dma_wait3A_119 = tpu.memref_slice %arg3[%add3A_117, %dma_wait3A_118] : memref<64x100000xf32, #tpu.memory_space<hbm>> -> memref<1x100000xf32, #tpu.memory_space<hbm>>
    %dma_wait3A_120 = tpu.memref_squeeze %dma_wait3A_119 : memref<1x100000xf32, #tpu.memory_space<hbm>> -> memref<100000xf32, #tpu.memory_space<hbm>>
    %dma_wait3A_121 = arith.constant 0 : i32
    %dma_wait3A_122 = tpu.memref_slice %arg3[%add3A_117, %dma_wait3A_121] : memref<64x100000xf32, #tpu.memory_space<hbm>> -> memref<1x100000xf32, #tpu.memory_space<hbm>>
    %dma_wait3A_123 = tpu.memref_squeeze %dma_wait3A_122 : memref<1x100000xf32, #tpu.memory_space<hbm>> -> memref<100000xf32, #tpu.memory_space<hbm>>
    tpu.wait_dma2 semaphore(%arg9 : memref<!tpu.dma_semaphore, #tpu.memory_space<semaphore_mem>>) src(%dma_wait3A_123 : memref<100000xf32, #tpu.memory_space<hbm>>) dst(%arg5 : memref<100000xf32, #tpu.memory_space<vmem>>)
    %dma_wait3A_124 = arith.constant 0 : i32
    %dma_wait3A_125 = arith.constant 0 : i32
    %dma_wait3A_126 = tpu.memref_slice %arg7[%dma_wait3A_124, %dma_wait3A_125] : memref<2x4096xf32, #tpu.memory_space<vmem>> -> memref<1x4096xf32, #tpu.memory_space<vmem>>
    %dma_wait3A_127 = tpu.memref_squeeze %dma_wait3A_126 : memref<1x4096xf32, #tpu.memory_space<vmem>> -> memref<4096xf32, #tpu.memory_space<vmem>>
    %dma_wait3A_128 = arith.constant 8192 : i32
    %dma_wait3A_129 = tpu.memref_slice %arg4[%add3A_11, %dma_wait3A_128] : memref<64x16384xf32, #tpu.memory_space<hbm>> -> memref<1x4096xf32, #tpu.memory_space<hbm>>
    %dma_wait3A_130 = tpu.memref_squeeze %dma_wait3A_129 : memref<1x4096xf32, #tpu.memory_space<hbm>> -> memref<4096xf32, #tpu.memory_space<hbm>>
    %dma_wait3A_131 = arith.constant 8192 : i32
    %dma_wait3A_132 = tpu.memref_slice %arg4[%add3A_11, %dma_wait3A_131] : memref<64x16384xf32, #tpu.memory_space<hbm>> -> memref<1x4096xf32, #tpu.memory_space<hbm>>
    %dma_wait3A_133 = tpu.memref_squeeze %dma_wait3A_132 : memref<1x4096xf32, #tpu.memory_space<hbm>> -> memref<4096xf32, #tpu.memory_space<hbm>>
    %dma_wait3A_134 = arith.constant 0 : i32
    %dma_wait3A_135 = tpu.memref_slice %arg7[%dma_wait3A_124, %dma_wait3A_134] : memref<2x4096xf32, #tpu.memory_space<vmem>> -> memref<1x4096xf32, #tpu.memory_space<vmem>>
    %dma_wait3A_136 = tpu.memref_squeeze %dma_wait3A_135 : memref<1x4096xf32, #tpu.memory_space<vmem>> -> memref<4096xf32, #tpu.memory_space<vmem>>
    tpu.wait_dma2 semaphore(%arg10 : memref<!tpu.dma_semaphore, #tpu.memory_space<semaphore_mem>>) src(%dma_wait3A_136 : memref<4096xf32, #tpu.memory_space<vmem>>) dst(%dma_wait3A_133 : memref<4096xf32, #tpu.memory_space<hbm>>)
    %parallel_loop3A_137 = arith.constant 0 : i32
    %parallel_loop3A_138 = arith.constant 256 : i32
    %parallel_loop3A_139 = arith.constant 1 : i32
    scf.for %parallel_loop3A_266 = %parallel_loop3A_137 to %parallel_loop3A_138 step %parallel_loop3A_139  : i32 {
      %parallel_loop3A_267 = arith.constant 16 : i32
      %parallel_loop3A_268 = arith.muli %parallel_loop3A_266, %parallel_loop3A_267 : i32
      %parallel_loop3A_269 = arith.constant 0 : i32
      %parallel_loop3A_270 = arith.addi %parallel_loop3A_269, %parallel_loop3A_268 : i32
      %parallel_loop3A_271 = arith.index_cast %parallel_loop3A_270 : i32 to index
      %parallel_loop3A_272 = tpu.vector_load %arg6[%parallel_loop3A_271] {strides = array<i32>} : memref<16384xi32, #tpu.memory_space<vmem>>, vector<16xi32>,
      %parallel_loop3A_273 = tpu.vector_load_idx %arg5[%parallel_loop3A_272] : memref<100000xf32, #tpu.memory_space<vmem>>[vector<16xi32>], vector<16xf32>,
      %parallel_loop3A_274 = arith.constant 16 : i32
      %parallel_loop3A_275 = arith.muli %parallel_loop3A_266, %parallel_loop3A_274 : i32
      %parallel_loop3A_276 = arith.constant 0 : i32
      %parallel_loop3A_277 = arith.index_cast %parallel_loop3A_276 : i32 to index
      %parallel_loop3A_278 = arith.index_cast %parallel_loop3A_275 : i32 to index
      %parallel_loop3A_279 = tpu.vector_load %arg7[%parallel_loop3A_277, %parallel_loop3A_278] {strides = array<i32>} : memref<2x4096xf32, #tpu.memory_space<vmem>>, vector<16xf32>,
      tpu.vector_store %arg7[%parallel_loop3A_277, %parallel_loop3A_278], %parallel_loop3A_273 {strides = array<i32>} : memref<2x4096xf32, #tpu.memory_space<vmem>>, vector<16xf32>,
    } {sc.loop_unroll_factor = 8 : i64, sc.parallel_access}
    %dma_start3A_140 = arith.constant 0 : i32
    %dma_start3A_141 = arith.constant 0 : i32
    %dma_start3A_142 = tpu.memref_slice %arg7[%dma_start3A_140, %dma_start3A_141] : memref<2x4096xf32, #tpu.memory_space<vmem>> -> memref<1x4096xf32, #tpu.memory_space<vmem>>
    %dma_start3A_143 = tpu.memref_squeeze %dma_start3A_142 : memref<1x4096xf32, #tpu.memory_space<vmem>> -> memref<4096xf32, #tpu.memory_space<vmem>>
    %dma_start3A_144 = arith.constant 0 : i32
    %dma_start3A_145 = tpu.memref_slice %arg4[%add3A_117, %dma_start3A_144] : memref<64x16384xf32, #tpu.memory_space<hbm>> -> memref<1x4096xf32, #tpu.memory_space<hbm>>
    %dma_start3A_146 = tpu.memref_squeeze %dma_start3A_145 : memref<1x4096xf32, #tpu.memory_space<hbm>> -> memref<4096xf32, #tpu.memory_space<hbm>>
    %dma_start3A_147 = arith.constant 0 : i32
    %dma_start3A_148 = tpu.memref_slice %arg4[%add3A_117, %dma_start3A_147] : memref<64x16384xf32, #tpu.memory_space<hbm>> -> memref<1x4096xf32, #tpu.memory_space<hbm>>
    %dma_start3A_149 = tpu.memref_squeeze %dma_start3A_148 : memref<1x4096xf32, #tpu.memory_space<hbm>> -> memref<4096xf32, #tpu.memory_space<hbm>>
    %dma_start3A_150 = arith.constant 0 : i32
    %dma_start3A_151 = tpu.memref_slice %arg7[%dma_start3A_140, %dma_start3A_150] : memref<2x4096xf32, #tpu.memory_space<vmem>> -> memref<1x4096xf32, #tpu.memory_space<vmem>>
    %dma_start3A_152 = tpu.memref_squeeze %dma_start3A_151 : memref<1x4096xf32, #tpu.memory_space<vmem>> -> memref<4096xf32, #tpu.memory_space<vmem>>
    tpu.enqueue_dma source(%dma_start3A_152 : memref<4096xf32, #tpu.memory_space<vmem>>) target(%dma_start3A_149 : memref<4096xf32, #tpu.memory_space<hbm>>) target_semaphore(%arg10 : memref<!tpu.dma_semaphore, #tpu.memory_space<semaphore_mem>>)
    %dma_wait3A_153 = arith.constant 1 : i32
    %dma_wait3A_154 = arith.constant 0 : i32
    %dma_wait3A_155 = tpu.memref_slice %arg7[%dma_wait3A_153, %dma_wait3A_154] : memref<2x4096xf32, #tpu.memory_space<vmem>> -> memref<1x4096xf32, #tpu.memory_space<vmem>>
    %dma_wait3A_156 = tpu.memref_squeeze %dma_wait3A_155 : memref<1x4096xf32, #tpu.memory_space<vmem>> -> memref<4096xf32, #tpu.memory_space<vmem>>
    %dma_wait3A_157 = arith.constant 12288 : i32
    %dma_wait3A_158 = tpu.memref_slice %arg4[%add3A_11, %dma_wait3A_157] : memref<64x16384xf32, #tpu.memory_space<hbm>> -> memref<1x4096xf32, #tpu.memory_space<hbm>>
    %dma_wait3A_159 = tpu.memref_squeeze %dma_wait3A_158 : memref<1x4096xf32, #tpu.memory_space<hbm>> -> memref<4096xf32, #tpu.memory_space<hbm>>
    %dma_wait3A_160 = arith.constant 12288 : i32
    %dma_wait3A_161 = tpu.memref_slice %arg4[%add3A_11, %dma_wait3A_160] : memref<64x16384xf32, #tpu.memory_space<hbm>> -> memref<1x4096xf32, #tpu.memory_space<hbm>>
    %dma_wait3A_162 = tpu.memref_squeeze %dma_wait3A_161 : memref<1x4096xf32, #tpu.memory_space<hbm>> -> memref<4096xf32, #tpu.memory_space<hbm>>
    %dma_wait3A_163 = arith.constant 0 : i32
    %dma_wait3A_164 = tpu.memref_slice %arg7[%dma_wait3A_153, %dma_wait3A_163] : memref<2x4096xf32, #tpu.memory_space<vmem>> -> memref<1x4096xf32, #tpu.memory_space<vmem>>
    %dma_wait3A_165 = tpu.memref_squeeze %dma_wait3A_164 : memref<1x4096xf32, #tpu.memory_space<vmem>> -> memref<4096xf32, #tpu.memory_space<vmem>>
    tpu.wait_dma2 semaphore(%arg10 : memref<!tpu.dma_semaphore, #tpu.memory_space<semaphore_mem>>) src(%dma_wait3A_165 : memref<4096xf32, #tpu.memory_space<vmem>>) dst(%dma_wait3A_162 : memref<4096xf32, #tpu.memory_space<hbm>>)
    %parallel_loop3A_166 = arith.constant 0 : i32
    %parallel_loop3A_167 = arith.constant 256 : i32
    %parallel_loop3A_168 = arith.constant 1 : i32
    scf.for %parallel_loop3A_266 = %parallel_loop3A_166 to %parallel_loop3A_167 step %parallel_loop3A_168  : i32 {
      %parallel_loop3A_267 = arith.constant 16 : i32
      %parallel_loop3A_268 = arith.muli %parallel_loop3A_266, %parallel_loop3A_267 : i32
      %parallel_loop3A_269 = arith.constant 4096 : i32
      %parallel_loop3A_270 = arith.addi %parallel_loop3A_269, %parallel_loop3A_268 : i32
      %parallel_loop3A_271 = arith.index_cast %parallel_loop3A_270 : i32 to index
      %parallel_loop3A_272 = tpu.vector_load %arg6[%parallel_loop3A_271] {strides = array<i32>} : memref<16384xi32, #tpu.memory_space<vmem>>, vector<16xi32>,
      %parallel_loop3A_273 = tpu.vector_load_idx %arg5[%parallel_loop3A_272] : memref<100000xf32, #tpu.memory_space<vmem>>[vector<16xi32>], vector<16xf32>,
      %parallel_loop3A_274 = arith.constant 16 : i32
      %parallel_loop3A_275 = arith.muli %parallel_loop3A_266, %parallel_loop3A_274 : i32
      %parallel_loop3A_276 = arith.constant 1 : i32
      %parallel_loop3A_277 = arith.index_cast %parallel_loop3A_276 : i32 to index
      %parallel_loop3A_278 = arith.index_cast %parallel_loop3A_275 : i32 to index
      %parallel_loop3A_279 = tpu.vector_load %arg7[%parallel_loop3A_277, %parallel_loop3A_278] {strides = array<i32>} : memref<2x4096xf32, #tpu.memory_space<vmem>>, vector<16xf32>,
      tpu.vector_store %arg7[%parallel_loop3A_277, %parallel_loop3A_278], %parallel_loop3A_273 {strides = array<i32>} : memref<2x4096xf32, #tpu.memory_space<vmem>>, vector<16xf32>,
    } {sc.loop_unroll_factor = 8 : i64, sc.parallel_access}
    %dma_start3A_169 = arith.constant 1 : i32
    %dma_start3A_170 = arith.constant 0 : i32
    %dma_start3A_171 = tpu.memref_slice %arg7[%dma_start3A_169, %dma_start3A_170] : memref<2x4096xf32, #tpu.memory_space<vmem>> -> memref<1x4096xf32, #tpu.memory_space<vmem>>
    %dma_start3A_172 = tpu.memref_squeeze %dma_start3A_171 : memref<1x4096xf32, #tpu.memory_space<vmem>> -> memref<4096xf32, #tpu.memory_space<vmem>>
    %dma_start3A_173 = arith.constant 4096 : i32
    %dma_start3A_174 = tpu.memref_slice %arg4[%add3A_117, %dma_start3A_173] : memref<64x16384xf32, #tpu.memory_space<hbm>> -> memref<1x4096xf32, #tpu.memory_space<hbm>>
    %dma_start3A_175 = tpu.memref_squeeze %dma_start3A_174 : memref<1x4096xf32, #tpu.memory_space<hbm>> -> memref<4096xf32, #tpu.memory_space<hbm>>
    %dma_start3A_176 = arith.constant 4096 : i32
    %dma_start3A_177 = tpu.memref_slice %arg4[%add3A_117, %dma_start3A_176] : memref<64x16384xf32, #tpu.memory_space<hbm>> -> memref<1x4096xf32, #tpu.memory_space<hbm>>
    %dma_start3A_178 = tpu.memref_squeeze %dma_start3A_177 : memref<1x4096xf32, #tpu.memory_space<hbm>> -> memref<4096xf32, #tpu.memory_space<hbm>>
    %dma_start3A_179 = arith.constant 0 : i32
    %dma_start3A_180 = tpu.memref_slice %arg7[%dma_start3A_169, %dma_start3A_179] : memref<2x4096xf32, #tpu.memory_space<vmem>> -> memref<1x4096xf32, #tpu.memory_space<vmem>>
    %dma_start3A_181 = tpu.memref_squeeze %dma_start3A_180 : memref<1x4096xf32, #tpu.memory_space<vmem>> -> memref<4096xf32, #tpu.memory_space<vmem>>
    tpu.enqueue_dma source(%dma_start3A_181 : memref<4096xf32, #tpu.memory_space<vmem>>) target(%dma_start3A_178 : memref<4096xf32, #tpu.memory_space<hbm>>) target_semaphore(%arg10 : memref<!tpu.dma_semaphore, #tpu.memory_space<semaphore_mem>>)
    %dma_wait3A_182 = arith.constant 0 : i32
    %dma_wait3A_183 = arith.constant 0 : i32
    %dma_wait3A_184 = tpu.memref_slice %arg7[%dma_wait3A_182, %dma_wait3A_183] : memref<2x4096xf32, #tpu.memory_space<vmem>> -> memref<1x4096xf32, #tpu.memory_space<vmem>>
    %dma_wait3A_185 = tpu.memref_squeeze %dma_wait3A_184 : memref<1x4096xf32, #tpu.memory_space<vmem>> -> memref<4096xf32, #tpu.memory_space<vmem>>
    %dma_wait3A_186 = arith.constant 0 : i32
    %dma_wait3A_187 = tpu.memref_slice %arg4[%add3A_117, %dma_wait3A_186] : memref<64x16384xf32, #tpu.memory_space<hbm>> -> memref<1x4096xf32, #tpu.memory_space<hbm>>
    %dma_wait3A_188 = tpu.memref_squeeze %dma_wait3A_187 : memref<1x4096xf32, #tpu.memory_space<hbm>> -> memref<4096xf32, #tpu.memory_space<hbm>>
    %dma_wait3A_189 = arith.constant 0 : i32
    %dma_wait3A_190 = tpu.memref_slice %arg4[%add3A_117, %dma_wait3A_189] : memref<64x16384xf32, #tpu.memory_space<hbm>> -> memref<1x4096xf32, #tpu.memory_space<hbm>>
    %dma_wait3A_191 = tpu.memref_squeeze %dma_wait3A_190 : memref<1x4096xf32, #tpu.memory_space<hbm>> -> memref<4096xf32, #tpu.memory_space<hbm>>
    %dma_wait3A_192 = arith.constant 0 : i32
    %dma_wait3A_193 = tpu.memref_slice %arg7[%dma_wait3A_182, %dma_wait3A_192] : memref<2x4096xf32, #tpu.memory_space<vmem>> -> memref<1x4096xf32, #tpu.memory_space<vmem>>
    %dma_wait3A_194 = tpu.memref_squeeze %dma_wait3A_193 : memref<1x4096xf32, #tpu.memory_space<vmem>> -> memref<4096xf32, #tpu.memory_space<vmem>>
    tpu.wait_dma2 semaphore(%arg10 : memref<!tpu.dma_semaphore, #tpu.memory_space<semaphore_mem>>) src(%dma_wait3A_194 : memref<4096xf32, #tpu.memory_space<vmem>>) dst(%dma_wait3A_191 : memref<4096xf32, #tpu.memory_space<hbm>>)
    %parallel_loop3A_195 = arith.constant 0 : i32
    %parallel_loop3A_196 = arith.constant 256 : i32
    %parallel_loop3A_197 = arith.constant 1 : i32
    scf.for %parallel_loop3A_266 = %parallel_loop3A_195 to %parallel_loop3A_196 step %parallel_loop3A_197  : i32 {
      %parallel_loop3A_267 = arith.constant 16 : i32
      %parallel_loop3A_268 = arith.muli %parallel_loop3A_266, %parallel_loop3A_267 : i32
      %parallel_loop3A_269 = arith.constant 8192 : i32
      %parallel_loop3A_270 = arith.addi %parallel_loop3A_269, %parallel_loop3A_268 : i32
      %parallel_loop3A_271 = arith.index_cast %parallel_loop3A_270 : i32 to index
      %parallel_loop3A_272 = tpu.vector_load %arg6[%parallel_loop3A_271] {strides = array<i32>} : memref<16384xi32, #tpu.memory_space<vmem>>, vector<16xi32>,
      %parallel_loop3A_273 = tpu.vector_load_idx %arg5[%parallel_loop3A_272] : memref<100000xf32, #tpu.memory_space<vmem>>[vector<16xi32>], vector<16xf32>,
      %parallel_loop3A_274 = arith.constant 16 : i32
      %parallel_loop3A_275 = arith.muli %parallel_loop3A_266, %parallel_loop3A_274 : i32
      %parallel_loop3A_276 = arith.constant 0 : i32
      %parallel_loop3A_277 = arith.index_cast %parallel_loop3A_276 : i32 to index
      %parallel_loop3A_278 = arith.index_cast %parallel_loop3A_275 : i32 to index
      %parallel_loop3A_279 = tpu.vector_load %arg7[%parallel_loop3A_277, %parallel_loop3A_278] {strides = array<i32>} : memref<2x4096xf32, #tpu.memory_space<vmem>>, vector<16xf32>,
      tpu.vector_store %arg7[%parallel_loop3A_277, %parallel_loop3A_278], %parallel_loop3A_273 {strides = array<i32>} : memref<2x4096xf32, #tpu.memory_space<vmem>>, vector<16xf32>,
    } {sc.loop_unroll_factor = 8 : i64, sc.parallel_access}
    %dma_start3A_198 = arith.constant 0 : i32
    %dma_start3A_199 = arith.constant 0 : i32
    %dma_start3A_200 = tpu.memref_slice %arg7[%dma_start3A_198, %dma_start3A_199] : memref<2x4096xf32, #tpu.memory_space<vmem>> -> memref<1x4096xf32, #tpu.memory_space<vmem>>
    %dma_start3A_201 = tpu.memref_squeeze %dma_start3A_200 : memref<1x4096xf32, #tpu.memory_space<vmem>> -> memref<4096xf32, #tpu.memory_space<vmem>>
    %dma_start3A_202 = arith.constant 8192 : i32
    %dma_start3A_203 = tpu.memref_slice %arg4[%add3A_117, %dma_start3A_202] : memref<64x16384xf32, #tpu.memory_space<hbm>> -> memref<1x4096xf32, #tpu.memory_space<hbm>>
    %dma_start3A_204 = tpu.memref_squeeze %dma_start3A_203 : memref<1x4096xf32, #tpu.memory_space<hbm>> -> memref<4096xf32, #tpu.memory_space<hbm>>
    %dma_start3A_205 = arith.constant 8192 : i32
    %dma_start3A_206 = tpu.memref_slice %arg4[%add3A_117, %dma_start3A_205] : memref<64x16384xf32, #tpu.memory_space<hbm>> -> memref<1x4096xf32, #tpu.memory_space<hbm>>
    %dma_start3A_207 = tpu.memref_squeeze %dma_start3A_206 : memref<1x4096xf32, #tpu.memory_space<hbm>> -> memref<4096xf32, #tpu.memory_space<hbm>>
    %dma_start3A_208 = arith.constant 0 : i32
    %dma_start3A_209 = tpu.memref_slice %arg7[%dma_start3A_198, %dma_start3A_208] : memref<2x4096xf32, #tpu.memory_space<vmem>> -> memref<1x4096xf32, #tpu.memory_space<vmem>>
    %dma_start3A_210 = tpu.memref_squeeze %dma_start3A_209 : memref<1x4096xf32, #tpu.memory_space<vmem>> -> memref<4096xf32, #tpu.memory_space<vmem>>
    tpu.enqueue_dma source(%dma_start3A_210 : memref<4096xf32, #tpu.memory_space<vmem>>) target(%dma_start3A_207 : memref<4096xf32, #tpu.memory_space<hbm>>) target_semaphore(%arg10 : memref<!tpu.dma_semaphore, #tpu.memory_space<semaphore_mem>>)
    %dma_wait3A_211 = arith.constant 1 : i32
    %dma_wait3A_212 = arith.constant 0 : i32
    %dma_wait3A_213 = tpu.memref_slice %arg7[%dma_wait3A_211, %dma_wait3A_212] : memref<2x4096xf32, #tpu.memory_space<vmem>> -> memref<1x4096xf32, #tpu.memory_space<vmem>>
    %dma_wait3A_214 = tpu.memref_squeeze %dma_wait3A_213 : memref<1x4096xf32, #tpu.memory_space<vmem>> -> memref<4096xf32, #tpu.memory_space<vmem>>
    %dma_wait3A_215 = arith.constant 4096 : i32
    %dma_wait3A_216 = tpu.memref_slice %arg4[%add3A_117, %dma_wait3A_215] : memref<64x16384xf32, #tpu.memory_space<hbm>> -> memref<1x4096xf32, #tpu.memory_space<hbm>>
    %dma_wait3A_217 = tpu.memref_squeeze %dma_wait3A_216 : memref<1x4096xf32, #tpu.memory_space<hbm>> -> memref<4096xf32, #tpu.memory_space<hbm>>
    %dma_wait3A_218 = arith.constant 4096 : i32
    %dma_wait3A_219 = tpu.memref_slice %arg4[%add3A_117, %dma_wait3A_218] : memref<64x16384xf32, #tpu.memory_space<hbm>> -> memref<1x4096xf32, #tpu.memory_space<hbm>>
    %dma_wait3A_220 = tpu.memref_squeeze %dma_wait3A_219 : memref<1x4096xf32, #tpu.memory_space<hbm>> -> memref<4096xf32, #tpu.memory_space<hbm>>
    %dma_wait3A_221 = arith.constant 0 : i32
    %dma_wait3A_222 = tpu.memref_slice %arg7[%dma_wait3A_211, %dma_wait3A_221] : memref<2x4096xf32, #tpu.memory_space<vmem>> -> memref<1x4096xf32, #tpu.memory_space<vmem>>
    %dma_wait3A_223 = tpu.memref_squeeze %dma_wait3A_222 : memref<1x4096xf32, #tpu.memory_space<vmem>> -> memref<4096xf32, #tpu.memory_space<vmem>>
    tpu.wait_dma2 semaphore(%arg10 : memref<!tpu.dma_semaphore, #tpu.memory_space<semaphore_mem>>) src(%dma_wait3A_223 : memref<4096xf32, #tpu.memory_space<vmem>>) dst(%dma_wait3A_220 : memref<4096xf32, #tpu.memory_space<hbm>>)
    %parallel_loop3A_224 = arith.constant 0 : i32
    %parallel_loop3A_225 = arith.constant 256 : i32
    %parallel_loop3A_226 = arith.constant 1 : i32
    scf.for %parallel_loop3A_266 = %parallel_loop3A_224 to %parallel_loop3A_225 step %parallel_loop3A_226  : i32 {
      %parallel_loop3A_267 = arith.constant 16 : i32
      %parallel_loop3A_268 = arith.muli %parallel_loop3A_266, %parallel_loop3A_267 : i32
      %parallel_loop3A_269 = arith.constant 12288 : i32
      %parallel_loop3A_270 = arith.addi %parallel_loop3A_269, %parallel_loop3A_268 : i32
      %parallel_loop3A_271 = arith.index_cast %parallel_loop3A_270 : i32 to index
      %parallel_loop3A_272 = tpu.vector_load %arg6[%parallel_loop3A_271] {strides = array<i32>} : memref<16384xi32, #tpu.memory_space<vmem>>, vector<16xi32>,
      %parallel_loop3A_273 = tpu.vector_load_idx %arg5[%parallel_loop3A_272] : memref<100000xf32, #tpu.memory_space<vmem>>[vector<16xi32>], vector<16xf32>,
      %parallel_loop3A_274 = arith.constant 16 : i32
      %parallel_loop3A_275 = arith.muli %parallel_loop3A_266, %parallel_loop3A_274 : i32
      %parallel_loop3A_276 = arith.constant 1 : i32
      %parallel_loop3A_277 = arith.index_cast %parallel_loop3A_276 : i32 to index
      %parallel_loop3A_278 = arith.index_cast %parallel_loop3A_275 : i32 to index
      %parallel_loop3A_279 = tpu.vector_load %arg7[%parallel_loop3A_277, %parallel_loop3A_278] {strides = array<i32>} : memref<2x4096xf32, #tpu.memory_space<vmem>>, vector<16xf32>,
      tpu.vector_store %arg7[%parallel_loop3A_277, %parallel_loop3A_278], %parallel_loop3A_273 {strides = array<i32>} : memref<2x4096xf32, #tpu.memory_space<vmem>>, vector<16xf32>,
    } {sc.loop_unroll_factor = 8 : i64, sc.parallel_access}
    %dma_start3A_227 = arith.constant 1 : i32
    %dma_start3A_228 = arith.constant 0 : i32
    %dma_start3A_229 = tpu.memref_slice %arg7[%dma_start3A_227, %dma_start3A_228] : memref<2x4096xf32, #tpu.memory_space<vmem>> -> memref<1x4096xf32, #tpu.memory_space<vmem>>
    %dma_start3A_230 = tpu.memref_squeeze %dma_start3A_229 : memref<1x4096xf32, #tpu.memory_space<vmem>> -> memref<4096xf32, #tpu.memory_space<vmem>>
    %dma_start3A_231 = arith.constant 12288 : i32
    %dma_start3A_232 = tpu.memref_slice %arg4[%add3A_117, %dma_start3A_231] : memref<64x16384xf32, #tpu.memory_space<hbm>> -> memref<1x4096xf32, #tpu.memory_space<hbm>>
    %dma_start3A_233 = tpu.memref_squeeze %dma_start3A_232 : memref<1x4096xf32, #tpu.memory_space<hbm>> -> memref<4096xf32, #tpu.memory_space<hbm>>
    %dma_start3A_234 = arith.constant 12288 : i32
    %dma_start3A_235 = tpu.memref_slice %arg4[%add3A_117, %dma_start3A_234] : memref<64x16384xf32, #tpu.memory_space<hbm>> -> memref<1x4096xf32, #tpu.memory_space<hbm>>
    %dma_start3A_236 = tpu.memref_squeeze %dma_start3A_235 : memref<1x4096xf32, #tpu.memory_space<hbm>> -> memref<4096xf32, #tpu.memory_space<hbm>>
    %dma_start3A_237 = arith.constant 0 : i32
    %dma_start3A_238 = tpu.memref_slice %arg7[%dma_start3A_227, %dma_start3A_237] : memref<2x4096xf32, #tpu.memory_space<vmem>> -> memref<1x4096xf32, #tpu.memory_space<vmem>>
    %dma_start3A_239 = tpu.memref_squeeze %dma_start3A_238 : memref<1x4096xf32, #tpu.memory_space<vmem>> -> memref<4096xf32, #tpu.memory_space<vmem>>
    tpu.enqueue_dma source(%dma_start3A_239 : memref<4096xf32, #tpu.memory_space<vmem>>) target(%dma_start3A_236 : memref<4096xf32, #tpu.memory_space<hbm>>) target_semaphore(%arg10 : memref<!tpu.dma_semaphore, #tpu.memory_space<semaphore_mem>>)
    %dma_wait3A_240 = arith.constant 0 : i32
    %dma_wait3A_241 = arith.constant 0 : i32
    %dma_wait3A_242 = tpu.memref_slice %arg7[%dma_wait3A_240, %dma_wait3A_241] : memref<2x4096xf32, #tpu.memory_space<vmem>> -> memref<1x4096xf32, #tpu.memory_space<vmem>>
    %dma_wait3A_243 = tpu.memref_squeeze %dma_wait3A_242 : memref<1x4096xf32, #tpu.memory_space<vmem>> -> memref<4096xf32, #tpu.memory_space<vmem>>
    %dma_wait3A_244 = arith.constant 8192 : i32
    %dma_wait3A_245 = tpu.memref_slice %arg4[%add3A_117, %dma_wait3A_244] : memref<64x16384xf32, #tpu.memory_space<hbm>> -> memref<1x4096xf32, #tpu.memory_space<hbm>>
    %dma_wait3A_246 = tpu.memref_squeeze %dma_wait3A_245 : memref<1x4096xf32, #tpu.memory_space<hbm>> -> memref<4096xf32, #tpu.memory_space<hbm>>
    %dma_wait3A_247 = arith.constant 8192 : i32
    %dma_wait3A_248 = tpu.memref_slice %arg4[%add3A_117, %dma_wait3A_247] : memref<64x16384xf32, #tpu.memory_space<hbm>> -> memref<1x4096xf32, #tpu.memory_space<hbm>>
    %dma_wait3A_249 = tpu.memref_squeeze %dma_wait3A_248 : memref<1x4096xf32, #tpu.memory_space<hbm>> -> memref<4096xf32, #tpu.memory_space<hbm>>
    %dma_wait3A_250 = arith.constant 0 : i32
    %dma_wait3A_251 = tpu.memref_slice %arg7[%dma_wait3A_240, %dma_wait3A_250] : memref<2x4096xf32, #tpu.memory_space<vmem>> -> memref<1x4096xf32, #tpu.memory_space<vmem>>
    %dma_wait3A_252 = tpu.memref_squeeze %dma_wait3A_251 : memref<1x4096xf32, #tpu.memory_space<vmem>> -> memref<4096xf32, #tpu.memory_space<vmem>>
    tpu.wait_dma2 semaphore(%arg10 : memref<!tpu.dma_semaphore, #tpu.memory_space<semaphore_mem>>) src(%dma_wait3A_252 : memref<4096xf32, #tpu.memory_space<vmem>>) dst(%dma_wait3A_249 : memref<4096xf32, #tpu.memory_space<hbm>>)
    %dma_wait3A_253 = arith.constant 1 : i32
    %dma_wait3A_254 = arith.constant 0 : i32
    %dma_wait3A_255 = tpu.memref_slice %arg7[%dma_wait3A_253, %dma_wait3A_254] : memref<2x4096xf32, #tpu.memory_space<vmem>> -> memref<1x4096xf32, #tpu.memory_space<vmem>>
    %dma_wait3A_256 = tpu.memref_squeeze %dma_wait3A_255 : memref<1x4096xf32, #tpu.memory_space<vmem>> -> memref<4096xf32, #tpu.memory_space<vmem>>
    %dma_wait3A_257 = arith.constant 12288 : i32
    %dma_wait3A_258 = tpu.memref_slice %arg4[%add3A_117, %dma_wait3A_257] : memref<64x16384xf32, #tpu.memory_space<hbm>> -> memref<1x4096xf32, #tpu.memory_space<hbm>>
    %dma_wait3A_259 = tpu.memref_squeeze %dma_wait3A_258 : memref<1x4096xf32, #tpu.memory_space<hbm>> -> memref<4096xf32, #tpu.memory_space<hbm>>
    %dma_wait3A_260 = arith.constant 12288 : i32
    %dma_wait3A_261 = tpu.memref_slice %arg4[%add3A_117, %dma_wait3A_260] : memref<64x16384xf32, #tpu.memory_space<hbm>> -> memref<1x4096xf32, #tpu.memory_space<hbm>>
    %dma_wait3A_262 = tpu.memref_squeeze %dma_wait3A_261 : memref<1x4096xf32, #tpu.memory_space<hbm>> -> memref<4096xf32, #tpu.memory_space<hbm>>
    %dma_wait3A_263 = arith.constant 0 : i32
    %dma_wait3A_264 = tpu.memref_slice %arg7[%dma_wait3A_253, %dma_wait3A_263] : memref<2x4096xf32, #tpu.memory_space<vmem>> -> memref<1x4096xf32, #tpu.memory_space<vmem>>
    %dma_wait3A_265 = tpu.memref_squeeze %dma_wait3A_264 : memref<1x4096xf32, #tpu.memory_space<vmem>> -> memref<4096xf32, #tpu.memory_space<vmem>>
    tpu.wait_dma2 semaphore(%arg10 : memref<!tpu.dma_semaphore, #tpu.memory_space<semaphore_mem>>) src(%dma_wait3A_265 : memref<4096xf32, #tpu.memory_space<vmem>>) dst(%dma_wait3A_262 : memref<4096xf32, #tpu.memory_space<hbm>>)
    return
  }
}

</mosaic_0001>

<sc_bundles>
// kernel: kernel.3.cloned.1.call-start
scs
__scs_entry_jumppad:
0x0: {  	(pc) =	sbr.rel $0x88, $3  }
0x1: {  	(tag) =	ssettag $0x0;
	lr =	simm.s32 $0x1  }
0x2: {  	[smem:$0x3F9F] =	sst lr;
	_ =	strace $0xD0000000  }
0x3: {  	_ = 	snop  }
0x4: {  	_ = 	snop  }
0x5: {  	_ = 	snop  }
0x6: {  	_ = 	snop  }
0x7: {  	_ = 	snop  }
__scs_overlays_trampoline_lowered:
0x8: {  	[smem:$0x3FAE] =	sst s0  }
0x9: {  	[smem:$0x3FAF] =	sst s1  }
0xa: {  	[smem:$0x3FB0] =	sst s2  }
0xb: {  	[smem:$0x3FB1] =	sst s3  }
0xc: {  	[smem:$0x3FB2] =	sst s4  }
0xd: {  	[smem:$0x3FB3] =	sst s5  }
0xe: {  	[smem:$0x3FB4] =	sst s6  }
0xf: {  	[smem:$0x3FB5] =	sst s7  }
0x10: {  	[smem:$0x3FB6] =	sst s8  }
0x11: {  	[smem:$0x3FB7] =	sst s9;
	s0 =	simm.s32 @!p0 $0x0  }
0x12: {  	s1 =	sld [smem:$0x3F9D];
	s0 =	simm.s32 @p0 $0x1  }
0x13: {  	[smem:$0x3FB8] =	sst s0;
	s0 =	simm.s32 @!p1 $0x0  }
0x14: {  	s2 =	sld [smem:$0x3F9C];
	s0 =	simm.s32 @p1 $0x1  }
0x15: {  	[smem:$0x3FB9] =	sst s0;
	s0 =	simm.s32 @!p2 $0x0  }
0x16: {  	s3 =	sld [smem:$0x3FDB];
	s0 =	simm.s32 @p2 $0x1  }
0x17: {  	s4 =	simm.s32 $0x1BF5;
	[smem:$0x3FBB] =	sst s0  }
0x18: {  	s0 =	sld [smem:$0x3F9E];
	_ =	swait.ge [sflag:s4], $0x0  }
0x19: {  	s7 =	sld [smem:$0x3F9F]  }
0x1a: {  	s8 =	sadd.s32 $0xFFFFE003, lr  }
0x1b: {  	s9 =	sadd.s32 $0xFFFFFEF7, lr;
	s5 =	simm.s32 $0xFFFFFFFF;
	p2 =	slt.u32 s8, $0xFFFFF086  }
0x1c: {  	p1 =	slt.u32 s9, $0xF7A;
	s5 =	simm.s32 @!p2 $0x0  }
0x1d: {  	s5 =	simm.s32 @p1 $0x1;
	p0 =	seq.s32 s7, s2  }
0x1e: {  	s7 =	smul.u32 @!p0 $0xF7A, s2;
	p2 =	seq.s32 @!p0 s5, $0x0  }
0x1f: {  	s9 =	smul.u32 $0xF7A, s1;
	s8 =	simm.s32 @!p0 $0x1BF5;
	p2 =	por !p2, p0  }
0x20: {  	[sflag:s8] =	ssyncset.s32 @!p0 $0xFFFFF086;
	s6 =	sadd.s32 @!p0 s3, s7;
	s7 =	simm.s32 @!p0 $0x108  }
0x21: {  	s3 =	sadd.s32 s3, s9;
	s6 =	sadd.s32 @!p0 $0x88, s6;
	s7 =	simm.s32 @p2 $0x1082  }
0x22: {  	[simem:s7], [sflag:s8] =	dma.local @!p0 [hbm:s6], $0xF7A  }
0x23: {  	s9 =	sor.u32 $0xD0000000, s2;
	s6 =	simm.s32 $0x108;
	_ =	swait.ge @!p0 [sflag:s8], $0x0  }
0x24: {  	s3 =	sadd.s32 $0x88, s3;
	s6 =	simm.s32 @!p1 $0x1082;
	[sflag:s4] =	ssyncset.s32 $0xFFFFF086  }
0x25: {  	[simem:s6], [sflag:s4] =	dma.local [hbm:s3], $0xF7A  }
0x26: {  	[smem:$0x3F9F] =	sst s1;
	(tag) =	ssettag s2;
	_ =	strace s9  }
0x27: {  	s1 =	sld [smem:$0x3FAF]  }
0x28: {  	s2 =	sld [smem:$0x3FB0]  }
0x29: {  	s4 =	sld [smem:$0x3FB2]  }
0x2a: {  	p0 =	seq.s32 s5, $0x0;
	s5 =	sld [smem:$0x3FB3]  }
0x2b: {  	s6 =	sld [smem:$0x3FB4]  }
0x2c: {  	s7 =	sld [smem:$0x3FB5]  }
0x2d: {  	s3 =	simm.s32 $0x108;
	s8 =	sld [smem:$0x3FB6]  }
0x2e: {  	s3 =	simm.s32 @!p0 $0x1082;
	s9 =	sld [smem:$0x3FB7]  }
0x2f: {  	lr =	sadd.s32 s0, s3;
	s0 =	sld [smem:$0x3FAE]  }
0x30: {  	s3 =	sld [smem:$0x3FB1]  }
0x31: {  	[smem:$0x3FBA] =	sst s10  }
0x32: {  	s10 =	sld [smem:$0x3FB8];
	_ =	sdelay $0x3  }
0x33: {  	p0 =	seq.s32 s10, $0x1;
	s10 =	sld [smem:$0x3FBA];
	_ =	sdelay $0x3  }
0x34: {  	[smem:$0x3FBA] =	sst s10  }
0x35: {  	s10 =	sld [smem:$0x3FB9];
	_ =	sdelay $0x3  }
0x36: {  	p1 =	seq.s32 s10, $0x1;
	s10 =	sld [smem:$0x3FBA];
	_ =	sdelay $0x3  }
0x37: {  	[smem:$0x3FBA] =	sst s10  }
0x38: {  	s10 =	sld [smem:$0x3FBB]  }
0x39: {  	_ = 	snop;
	(pc) =	sbr.ind lr, $3  }
0x3a: {  	_ = 	snop  }
0x3b: {  	_ = 	snop  }
0x3c: {  	p2 =	seq.s32 s10, $0x1;
	s10 =	sld [smem:$0x3FBA]  }
0x3d: {  	_ =	shalt  }
0x3e: {  	_ =	shalt  }
0x3f: {  	_ =	shalt  }
0x40: {  	_ =	shalt  }
0x41: {  	_ =	shalt  }
0x42: {  	_ =	shalt  }
0x43: {  	_ =	shalt  }
0x44: {  	_ =	shalt  }
0x45: {  	_ =	shalt  }
0x46: {  	_ =	shalt  }
0x47: {  	_ =	shalt  }
0x48: {  	_ =	shalt  }
0x49: {  	_ =	shalt  }
0x4a: {  	_ =	shalt  }
0x4b: {  	_ =	shalt  }
0x4c: {  	_ =	shalt  }
0x4d: {  	_ =	shalt  }
0x4e: {  	_ =	shalt  }
0x4f: {  	_ =	shalt  }
0x50: {  	_ =	shalt  }
0x51: {  	_ =	shalt  }
0x52: {  	_ =	shalt  }
0x53: {  	_ =	shalt  }
0x54: {  	_ =	shalt  }
0x55: {  	_ =	shalt  }
0x56: {  	_ =	shalt  }
0x57: {  	_ =	shalt  }
0x58: {  	_ =	shalt  }
0x59: {  	_ =	shalt  }
0x5a: {  	_ =	shalt  }
0x5b: {  	_ =	shalt  }
0x5c: {  	_ =	shalt  }
0x5d: {  	_ =	shalt  }
0x5e: {  	_ =	shalt  }
0x5f: {  	_ =	shalt  }
0x60: {  	_ =	shalt  }
0x61: {  	_ =	shalt  }
0x62: {  	_ =	shalt  }
0x63: {  	_ =	shalt  }
0x64: {  	_ =	shalt  }
0x65: {  	_ =	shalt  }
0x66: {  	_ =	shalt  }
0x67: {  	_ =	shalt  }
0x68: {  	_ =	shalt  }
0x69: {  	_ =	shalt  }
0x6a: {  	_ =	shalt  }
0x6b: {  	_ =	shalt  }
0x6c: {  	_ =	shalt  }
0x6d: {  	_ =	shalt  }
0x6e: {  	_ =	shalt  }
0x6f: {  	_ =	shalt  }
0x70: {  	_ =	shalt  }
0x71: {  	_ =	shalt  }
0x72: {  	_ =	shalt  }
0x73: {  	_ =	shalt  }
0x74: {  	_ =	shalt  }
0x75: {  	_ =	shalt  }
0x76: {  	_ =	shalt  }
0x77: {  	_ =	shalt  }
0x78: {  	_ =	shalt  }
0x79: {  	_ =	shalt  }
0x7a: {  	_ =	shalt  }
0x7b: {  	_ =	shalt  }
0x7c: {  	_ =	shalt  }
0x7d: {  	_ =	shalt  }
0x7e: {  	_ =	shalt  }
0x7f: {  	_ =	shalt  }
0x80: {  	_ =	shalt  }
0x81: {  	_ =	shalt  }
0x82: {  	_ =	shalt  }
0x83: {  	_ =	shalt  }
0x84: {  	_ =	shalt  }
0x85: {  	_ =	shalt  }
0x86: {  	_ =	shalt  }
0x87: {  	_ =	shalt  }
.Lfunc_end0:
.L_simem_size_0:
called_computation_lowered:
.L_overlay_start_0:
0x88: {  	s2 =	sld [smem:$0x3FD9]  }
0x89: {  	s3 =	sld [smem:$0x3FFE];
	_ =	sdelay $0x1  }
0x8a: {  	s1 =	srdreg.scid  }
0x8b: {  	s0 =	sand.u32 $0x1, s1  }
0x8c: {  	s18 =	sshll.u32 s0, $0xA;
	s2 =	sadd.s32 s3, s2  }
0x8d: {  	s2 =	sadd.s32 s2, s18  }
0x8e: {  	[smem:$0x3FC6] =	sst s2  }
0x8f: {  	_ = 	snop  }
0x90: {  	s2 =	sld [smem:$0x3FC9]  }
0x91: {  	s19 =	sld [smem:$0x3FC8]  }
0x92: {  	s4 =	sld [smem:$0x3FD0];
	(tm) =	ssettm $0x1  }
0x93: {  	s5 =	sld [smem:$0x3FFB];
	_ =	sdelay $0x3  }
0x94: {  	_ =	strace s5  }
0x95: {  	s5 =	sld [smem:$0x3FFC];
	_ =	sdelay $0x3  }
0x96: {  	_ =	strace s5  }
0x97: {  	s5 =	sld [smem:$0x3FFD];
	_ =	sdelay $0x3  }
0x98: {  	_ =	strace s5  }
0x99: {  	_ =	strace $0x8FFFFFFF  }
0x9a: {  	s20 =	sld [smem:$0x3FDB];
	_ =	sdelay $0x1  }
0x9b: {  	s6 =	simm.s32 $_scs_section_size  }
0x9c: {  	s7 =	simm.s32 $_size__tile_overlayer_lowered;
	s8 =	simm.s32 $_tile_overlayer_lowered  }
0x9d: {  	s23 =	simm.s32 $0x1BFF;
	s22 =	sshll.u32 s8, $0x1;
	s5 =	sadd.s32 s6, s20  }
0x9e: {  	s9 =	simm.s32 $0x0;
	s21 =	sshll.u32 s7, $0x1;
	s7 =	sadd.s32 s22, s5  }
0x9f: {  	[timem:s9], [sflag:s23] =	dma.local [hbm:s7], s21  }
0xa0: {  	_ =	swait.ge [sflag:s23], s21  }
0xa1: {  	s6 =	ssub.s32 $0x0, s21;
	[sflag:s23] =	ssyncset.done $0x0  }
0xa2: {  	[sflag:s23] =	ssyncadd.s32 s6;
	_ =	sdelay $0x1  }
0xa3: {  	s24 =	simm.s32 $0x1B8B  }
0xa4: {  	_ =	swait.ge [sflag:s24], $0x1  }
0xa5: {  	[sflag:s24] =	ssyncset.done $0x0  }
0xa6: {  	s25 =	simm.s32 $0x1B8E;
	[sflag:s24] =	ssyncadd.s32 $0xFFFFFFFF  }
0xa7: {  	s26 =	simm.s32 $execute0_lowered;
	[smem:$0x3FD2] =	sst s25  }
0xa8: {  	s6 =	sshll.u32 s26, $0x1;
	_ =	strace $0x80000046;
	[dreg:$0x1] =	wrdreg $0xFFFFFFFF  }
0xa9: {  	s28 =	simm.s32 $_size_execute0_lowered;
	s5 =	sadd.s32 s5, s6;
	[dreg:$0x0] =	wrdreg $0x0  }
0xaa: {  	s6 =	sshll.u32 s28, $0x1;
	[dreg:$0x2] =	wrdreg s5  }
0xab: {  	[dreg:$0x3] =	wrdreg s6  }
0xac: {  	[dreg:$0x4] =	wrdreg $0xC0  }
0xad: {  	_ =	task [dreg:s9], $0x5FFFF  }
0xae: {  	[dreg:$0x1] =	wrdreg $0xFFFFFFFF  }
0xaf: {  	[dreg:$0x0] =	wrdreg $0x60  }
0xb0: {  	[dreg:$0x2] =	wrdreg s2  }
0xb1: {  	[dreg:$0x3] =	wrdreg s19  }
0xb2: {  	[dreg:$0x4] =	wrdreg s4  }
0xb3: {  	[dreg:$0x5] =	wrdreg $0x9  }
0xb4: {  	_ =	task.clear_ibuf [dreg:s9], $0x6FFFF;
	_ =	strace $0x90000046  }
0xb5: {  	s29 =	simm.s32 $0x9;
	_ =	strace $0x80000048  }
0xb6: {  	_ =	swait.ge [sflag:s29], $0x1  }
0xb7: {  	[sflag:s29] =	ssyncadd.s32 $0xFFFFFFFF  }
0xb8: {  	_ =	strace $0x90000048  }
0xb9: {  	_ =	sfence  }
0xba: {  	s30 =	sld [smem:$0x0];
	_ =	sdelay $0x2  }
0xbb: {  	s31 =	sshll.u32 s1, $0xD;
	s1 =	sshrl.u32 s1, $0x2  }
0xbc: {  	s3 =	sand.u32 $0x4000, s31;
	s1 =	sadd.s32 s1, s30  }
0xbd: {  	s0 =	sor.u32 s3, s0;
	s1 =	sshll.u32 s1, $0x11  }
0xbe: {  	s0 =	sor.u32 s1, s0  }
0xbf: {  	s0 =	sadd.s32 $0x8F2B, s0  }
0xc0: {  	[sflag:s0] =	ssyncadd.remote.s32 $0x1  }
0xc1: {  	_ =	sfence.sel $0xFFFF  }
0xc2: {  	[dreg:$0x0] =	wrdreg $0xFFFFFFFF;
	(pc) =	sbr.abs _section_cstart, $3  }
0xc3: {  	[dreg:$0x1] =	wrdreg $0xFFFFFFFF  }
0xc4: {  	_ =	task.clear_ibuf [dreg:s9], $0x2FFFF;
	_ =	strace $0x9FFFFFFF  }
0xc5: {  	(tm) =	ssettm $0x7FFFFFFF  }
tec
execute0_lowered:
.L_overlay_start_1:
0x0: {  	(tag) =	ssettag $0x1  }
0x1: {  	s1 =	rddreg [dreg:$0x0]  }
0x2: {  	s8 =	rddreg [dreg:$0x1]  }
0x3: {  	s10 =	rddreg [dreg:$0x2]  }
0x4: {  	s0 =	rddreg [dreg:$0x3];
	s3 =	simm.s32 $0x0  }
0x5: {  	s4 =	srdreg.scid;
	s2 =	stileid.u32;
	s18 =	simm.s32 $0x1  }
0x6: {  	s19 =	simm.s32 $0x2;
	s20 =	simm.s32 $0x3;
	s21 =	simm.s32 $0x0  }
0x7: {  	[smem:$0x7FF] =	sst s3;
	s4 =	sand.u32 $0x1, s4;
	s5 =	sshll.u32 s2, $0x9  }
0x8: {  	s6 =	sshrl.u32 s2, $0x1;
	s30 =	sadd.s32 $0x1000, s10;
	s15 =	sadd.s32 $0x2000, s10  }
0x9: {  	s17 =	sadd.s32 $0x3000, s10;
	s7 =	sshll.u32 s4, $0x8;
	s5 =	sand.u32 $0x200, s5  }
0xa: {  	s9 =	smul.u32 $0xC3800, s6;
	_ =	strace $0x80000047;
	s4 =	ssub.s32 $0x2, s4  }
0xb: {  	s11 =	sshll.u32 s6, $0x11;
	s7 =	sor.u32 s7, s5;
	s12 =	sshrl.u32 s4, $0x1  }
0xc: {  	s5 =	sor.u32 s9, s7;
	s6 =	sor.u32 s11, s7;
	s14 =	ssub.s32 s4, s12  }
0xd: {  	s16 =	sor.u32 $0x80, s7;
	s5 =	sshrl.u32 s5, $0x3;
	s13 =	sshrl.u32 s6, $0x3  }
0xe: {  	s9 =	sor.u32 s9, s16;
	s11 =	sor.u32 s11, s16;
	s14 =	smax.u32 s14, $0x1  }
0xf: {  	s16 =	simm.s32 $0x80;
	s4 =	sadd.s32 s8, s5;
	s5 =	sadd.s32 s10, s13  }
0x10: {  	s6 =	sadd.s32 s13, s30;
	s7 =	sadd.s32 s13, s15;
	s9 =	sshrl.u32 s9, $0x3  }
0x11: {  	s31 =	sshrl.u32 s11, $0x3;
	s8 =	sadd.s32 s8, s9;
	s9 =	sadd.s32 s13, s17  }
0x12: {  	s10 =	sadd.s32 s10, s31;
	s11 =	sadd.s32 s31, s30;
	s12 =	sadd.s32 s31, s15  }
0x13: {  	s13 =	sadd.s32 s31, s17;
	s15 =	simm.s32 $0x18700;
	s17 =	simm.s32 $0x400  }
.LBB2_1:
0x14: {  	[tilespmem:s15], [sflag:$0x1] =	stream.linear.gather [hbm4b:s1+s3], $0x4000, $0x38;
	[tilespmem:$0x1E700] =	vst v63  }
0x15: {  	_ = 	snop  }
0x16: {  	[tilespmem:s3], [sflag:$0x2] =	stream.strided.gather [hbm4b:s4+s16], $0x18700, s17, s16, $0x38;
	[tilespmem:$0x1E700] =	vst v63  }
0x17: {  	_ =	swait.ge [sflag:s18], $0x4000  }
0x18: {  	[sflag:s18] =	ssyncset.done $0x0  }
0x19: {  	[sflag:s18] =	ssyncadd.s32 $0xFFFFC000  }
0x1a: {  	_ =	swait.ge [sflag:s19], $0x18700  }
0x1b: {  	[sflag:s19] =	ssyncset.done $0x0  }
0x1c: {  	s22 =	simm.s32 $0x18740;
	[sflag:s19] =	ssyncadd.s32 $0xFFFE7900  }
0x1d: {  	v0 =	vld [tilespmem:s22+$0x30]  }
0x1e: {  	v1 =	vld [tilespmem:s22+$0xFFFFFFD0]  }
0x1f: {  	v2 =	vld [tilespmem:s22+$0xFFFFFFE0]  }
0x20: {  	v3 =	vld [tilespmem:s22+$0xFFFFFFF0]  }
0x21: {  	v4 =	vld [tilespmem:s22+$0x0]  }
0x22: {  	v6 =	vld [tilespmem:s22+$0x10]  }
0x23: {  	v7 =	vld [tilespmem:s22+$0x20]  }
0x24: {  	v8 =	vld [tilespmem:s22+$0xFFFFFFC0]  }
0x25: {  	v9 =	vld.idx.msk [tilespmem:v0+s3+$0x0], $0xffff  }
0x26: {  	v10 =	vld.idx.msk [tilespmem:v1+s3+$0x0], $0xffff  }
0x27: {  	v5 =	vld.idx.msk [tilespmem:v2+s3+$0x0], $0xffff  }
0x28: {  	v3 =	vld.idx.msk [tilespmem:v3+s3+$0x0], $0xffff  }
0x29: {  	v0 =	vld.idx.msk [tilespmem:v4+s3+$0x0], $0xffff  }
0x2a: {  	s22 =	simm.s32 $0x1C740;
	v1 =	vld.idx.msk [tilespmem:v6+s3+$0x0], $0xffff  }
0x2b: {  	v2 =	vld.idx.msk [tilespmem:v7+s3+$0x0], $0xffff;
	[tilespmem:s22+$0x30] =	vst v9  }
0x2c: {  	s23 =	simm.s32 $0x0;
	s24 =	simm.s32 $0x187C0;
	v4 =	vld.idx.msk [tilespmem:v8+s3+$0x0], $0xffff;
	[tilespmem:s22+$0xFFFFFFD0] =	vst v10  }
.LBB2_2:
0x2d: {  	v6 =	vld [tilespmem:s24+$0x30];
	s23 =	sadd.s32 $0x8, s23;
	[tilespmem:s22+$0xFFFFFFE0] =	vst v5  }
0x2e: {  	v5 =	vld [tilespmem:s24+$0xFFFFFFD0];
	p0 =	slt.u32 s23, $0xF8;
	[tilespmem:s22+$0xFFFFFFF0] =	vst v3  }
0x2f: {  	v3 =	vld [tilespmem:s24+$0xFFFFFFE0];
	[tilespmem:s22+$0x0] =	vst v0  }
0x30: {  	v0 =	vld [tilespmem:s24+$0xFFFFFFF0];
	[tilespmem:s22+$0x10] =	vst v1  }
0x31: {  	v1 =	vld [tilespmem:s24+$0x0];
	[tilespmem:s22+$0x20] =	vst v2  }
0x32: {  	v2 =	vld [tilespmem:s24+$0x10];
	[tilespmem:s22+$0xFFFFFFC0] =	vst v4  }
0x33: {  	v4 =	vld [tilespmem:s24+$0x20]  }
0x34: {  	v7 =	vld [tilespmem:s24+$0xFFFFFFC0]  }
0x35: {  	v6 =	vld.idx.msk [tilespmem:v6+s3+$0x0], $0xffff  }
0x36: {  	v8 =	vld.idx.msk [tilespmem:v5+s3+$0x0], $0xffff  }
0x37: {  	v5 =	vld.idx.msk [tilespmem:v3+s3+$0x0], $0xffff  }
.Ltmp0:
0x38: {  	v3 =	vld.idx.msk [tilespmem:v0+s3+$0x0], $0xffff;
	(pc) =	sbr.rel @p0 .LBB2_2-.Ltmp0, $4  }
0x39: {  	v0 =	vld.idx.msk [tilespmem:v1+s3+$0x0], $0xffff  }
0x3a: {  	s22 =	sadd.s32 $0x100, s22;
	v1 =	vld.idx.msk [tilespmem:v2+s3+$0x0], $0xffff  }
0x3b: {  	v2 =	vld.idx.msk [tilespmem:v4+s3+$0x0], $0xffff;
	[tilespmem:s22+$0x30] =	vst v6  }
0x3c: {  	s24 =	sadd.s32 $0x80, s24;
	v4 =	vld.idx.msk [tilespmem:v7+s3+$0x0], $0xffff;
	[tilespmem:s22+$0xFFFFFFD0] =	vst v8  }
0x3d: {  	[tilespmem:s22+$0xFFFFFFE0] =	vst v5  }
0x3e: {  	[tilespmem:s22+$0xFFFFFFF0] =	vst v3  }
0x3f: {  	[tilespmem:s22+$0x0] =	vst v0  }
0x40: {  	[tilespmem:s22+$0x10] =	vst v1  }
0x41: {  	[tilespmem:s22+$0x20] =	vst v2  }
0x42: {  	s23 =	simm.s32 $0x1C700;
	[tilespmem:s22+$0xFFFFFFC0] =	vst v4;
	s22 =	simm.s32 $0x0  }
.LBB2_4:
0x43: {  	p0 =	sne.s32 s22, $0xF80  }
.Ltmp1:
0x44: {  	_ = 	snop;
	(pc) =	sbr.rel @p0 .LBB2_4-.Ltmp1, $4  }
0x45: {  	_ = 	snop  }
0x46: {  	s24 =	sadd.s32 s22, s5  }
0x47: {  	[hbm4b:s24+s3] =	stream.linear.scatter [tilespmem:s23], [sflag:$0x3], $0x80, $0x38;
	[tilespmem:$0x1E700] =	vst v63  }
0x48: {  	s22 =	sadd.s32 $0x80, s22;
	s23 =	sadd.s32 $0x100, s23  }
0x49: {  	s22 =	simm.s32 $0x19770  }
0x4a: {  	v0 =	vld [tilespmem:s22+$0x0]  }
0x4b: {  	v1 =	vld [tilespmem:s22+$0xFFFFFFA0]  }
0x4c: {  	v2 =	vld [tilespmem:s22+$0xFFFFFFB0]  }
0x4d: {  	v3 =	vld [tilespmem:s22+$0xFFFFFFC0]  }
0x4e: {  	v4 =	vld [tilespmem:s22+$0xFFFFFFD0]  }
0x4f: {  	v6 =	vld [tilespmem:s22+$0xFFFFFFE0]  }
0x50: {  	v7 =	vld [tilespmem:s22+$0xFFFFFFF0]  }
0x51: {  	v8 =	vld [tilespmem:s22+$0xFFFFFF90]  }
0x52: {  	v9 =	vld.idx.msk [tilespmem:v0+s3+$0x0], $0xffff  }
0x53: {  	v10 =	vld.idx.msk [tilespmem:v1+s3+$0x0], $0xffff  }
0x54: {  	v5 =	vld.idx.msk [tilespmem:v2+s3+$0x0], $0xffff  }
0x55: {  	v3 =	vld.idx.msk [tilespmem:v3+s3+$0x0], $0xffff  }
0x56: {  	v0 =	vld.idx.msk [tilespmem:v4+s3+$0x0], $0xffff  }
0x57: {  	s22 =	simm.s32 $0x1C7F0;
	v1 =	vld.idx.msk [tilespmem:v6+s3+$0x0], $0xffff  }
0x58: {  	v2 =	vld.idx.msk [tilespmem:v7+s3+$0x0], $0xffff;
	[tilespmem:s22+$0x0] =	vst v9  }
0x59: {  	s23 =	simm.s32 $0x0;
	s24 =	simm.s32 $0x197F0;
	v4 =	vld.idx.msk [tilespmem:v8+s3+$0x0], $0xffff;
	[tilespmem:s22+$0xFFFFFFA0] =	vst v10  }
.LBB2_6:
0x5a: {  	v6 =	vld [tilespmem:s24+$0x0];
	s23 =	sadd.s32 $0x8, s23;
	[tilespmem:s22+$0xFFFFFFB0] =	vst v5  }
0x5b: {  	v5 =	vld [tilespmem:s24+$0xFFFFFFA0];
	p0 =	slt.u32 s23, $0xF8;
	[tilespmem:s22+$0xFFFFFFC0] =	vst v3  }
0x5c: {  	v3 =	vld [tilespmem:s24+$0xFFFFFFB0];
	[tilespmem:s22+$0xFFFFFFD0] =	vst v0  }
0x5d: {  	v0 =	vld [tilespmem:s24+$0xFFFFFFC0];
	[tilespmem:s22+$0xFFFFFFE0] =	vst v1  }
0x5e: {  	v1 =	vld [tilespmem:s24+$0xFFFFFFD0];
	[tilespmem:s22+$0xFFFFFFF0] =	vst v2  }
0x5f: {  	v2 =	vld [tilespmem:s24+$0xFFFFFFE0];
	[tilespmem:s22+$0xFFFFFF90] =	vst v4  }
0x60: {  	v4 =	vld [tilespmem:s24+$0xFFFFFFF0]  }
0x61: {  	v7 =	vld [tilespmem:s24+$0xFFFFFF90]  }
0x62: {  	v6 =	vld.idx.msk [tilespmem:v6+s3+$0x0], $0xffff  }
0x63: {  	v8 =	vld.idx.msk [tilespmem:v5+s3+$0x0], $0xffff  }
0x64: {  	v5 =	vld.idx.msk [tilespmem:v3+s3+$0x0], $0xffff  }
.Ltmp2:
0x65: {  	v3 =	vld.idx.msk [tilespmem:v0+s3+$0x0], $0xffff;
	(pc) =	sbr.rel @p0 .LBB2_6-.Ltmp2, $4  }
0x66: {  	v0 =	vld.idx.msk [tilespmem:v1+s3+$0x0], $0xffff  }
0x67: {  	s22 =	sadd.s32 $0x100, s22;
	v1 =	vld.idx.msk [tilespmem:v2+s3+$0x0], $0xffff  }
0x68: {  	v2 =	vld.idx.msk [tilespmem:v4+s3+$0x0], $0xffff;
	[tilespmem:s22+$0x0] =	vst v6  }
0x69: {  	s24 =	sadd.s32 $0x80, s24;
	v4 =	vld.idx.msk [tilespmem:v7+s3+$0x0], $0xffff;
	[tilespmem:s22+$0xFFFFFFA0] =	vst v8  }
0x6a: {  	[tilespmem:s22+$0xFFFFFFB0] =	vst v5  }
0x6b: {  	[tilespmem:s22+$0xFFFFFFC0] =	vst v3  }
0x6c: {  	[tilespmem:s22+$0xFFFFFFD0] =	vst v0  }
0x6d: {  	[tilespmem:s22+$0xFFFFFFE0] =	vst v1  }
0x6e: {  	s23 =	simm.s32 $0x1C780;
	[tilespmem:s22+$0xFFFFFFF0] =	vst v2  }
0x6f: {  	s25 =	sadd.s32 $0x0, s6;
	s24 =	simm.s32 $0x1C880;
	[tilespmem:s22+$0xFFFFFF90] =	vst v4;
	s22 =	simm.s32 $0x80  }
.LBB2_8:
0x70: {  	[hbm4b:s25+s3] =	stream.linear.scatter [tilespmem:s23], [sflag:$0x3], $0x80, $0x38;
	[tilespmem:$0x1E700] =	vst v63  }
0x71: {  	s25 =	smov.u32 s22;
	s23 =	smov.u32 s24;
	p0 =	sne.s32 s22, $0xF80  }
.Ltmp3:
0x72: {  	s22 =	sadd.s32 $0x80, s22;
	(pc) =	sbr.rel @p0 .LBB2_8-.Ltmp3, $2  }
0x73: {  	_ =	sdelay $0x2  }
0x74: {  	s24 =	sadd.s32 $0x100, s24;
	s25 =	sadd.s32 s25, s6  }
0x75: {  	[hbm4b:s25+s3] =	stream.linear.scatter [tilespmem:s23], [sflag:$0x3], $0x80, $0x38;
	[tilespmem:$0x1E700] =	vst v63  }
0x76: {  	_ =	swait.ge [sflag:s20], $0x1000  }
0x77: {  	[sflag:s20] =	ssyncset.done $0x0  }
0x78: {  	s22 =	simm.s32 $0x1A770;
	[sflag:s20] =	ssyncadd.s32 $0xFFFFF000  }
0x79: {  	v0 =	vld [tilespmem:s22+$0x0]  }
0x7a: {  	v1 =	vld [tilespmem:s22+$0xFFFFFFA0]  }
0x7b: {  	v2 =	vld [tilespmem:s22+$0xFFFFFFB0]  }
0x7c: {  	v3 =	vld [tilespmem:s22+$0xFFFFFFC0]  }
0x7d: {  	v4 =	vld [tilespmem:s22+$0xFFFFFFD0]  }
0x7e: {  	v6 =	vld [tilespmem:s22+$0xFFFFFFE0]  }
0x7f: {  	v7 =	vld [tilespmem:s22+$0xFFFFFFF0]  }
0x80: {  	v8 =	vld [tilespmem:s22+$0xFFFFFF90]  }
0x81: {  	v9 =	vld.idx.msk [tilespmem:v0+s3+$0x0], $0xffff  }
0x82: {  	v10 =	vld.idx.msk [tilespmem:v1+s3+$0x0], $0xffff  }
0x83: {  	v5 =	vld.idx.msk [tilespmem:v2+s3+$0x0], $0xffff  }
0x84: {  	v3 =	vld.idx.msk [tilespmem:v3+s3+$0x0], $0xffff  }
0x85: {  	v0 =	vld.idx.msk [tilespmem:v4+s3+$0x0], $0xffff  }
0x86: {  	s22 =	simm.s32 $0x1C740;
	v1 =	vld.idx.msk [tilespmem:v6+s3+$0x0], $0xffff  }
0x87: {  	v2 =	vld.idx.msk [tilespmem:v7+s3+$0x0], $0xffff;
	[tilespmem:s22+$0x30] =	vst v9  }
0x88: {  	s23 =	simm.s32 $0x0;
	s24 =	simm.s32 $0x1A7F0;
	v4 =	vld.idx.msk [tilespmem:v8+s3+$0x0], $0xffff;
	[tilespmem:s22+$0xFFFFFFD0] =	vst v10  }
.LBB2_10:
0x89: {  	v6 =	vld [tilespmem:s24+$0x0];
	s23 =	sadd.s32 $0x8, s23;
	[tilespmem:s22+$0xFFFFFFE0] =	vst v5  }
0x8a: {  	v5 =	vld [tilespmem:s24+$0xFFFFFFA0];
	p0 =	slt.u32 s23, $0xF8;
	[tilespmem:s22+$0xFFFFFFF0] =	vst v3  }
0x8b: {  	v3 =	vld [tilespmem:s24+$0xFFFFFFB0];
	[tilespmem:s22+$0x0] =	vst v0  }
0x8c: {  	v0 =	vld [tilespmem:s24+$0xFFFFFFC0];
	[tilespmem:s22+$0x10] =	vst v1  }
0x8d: {  	v1 =	vld [tilespmem:s24+$0xFFFFFFD0];
	[tilespmem:s22+$0x20] =	vst v2  }
0x8e: {  	v2 =	vld [tilespmem:s24+$0xFFFFFFE0];
	[tilespmem:s22+$0xFFFFFFC0] =	vst v4  }
0x8f: {  	v4 =	vld [tilespmem:s24+$0xFFFFFFF0]  }
0x90: {  	v7 =	vld [tilespmem:s24+$0xFFFFFF90]  }
0x91: {  	v6 =	vld.idx.msk [tilespmem:v6+s3+$0x0], $0xffff  }
0x92: {  	v8 =	vld.idx.msk [tilespmem:v5+s3+$0x0], $0xffff  }
0x93: {  	v5 =	vld.idx.msk [tilespmem:v3+s3+$0x0], $0xffff  }
.Ltmp4:
0x94: {  	v3 =	vld.idx.msk [tilespmem:v0+s3+$0x0], $0xffff;
	(pc) =	sbr.rel @p0 .LBB2_10-.Ltmp4, $4  }
0x95: {  	v0 =	vld.idx.msk [tilespmem:v1+s3+$0x0], $0xffff  }
0x96: {  	s22 =	sadd.s32 $0x100, s22;
	v1 =	vld.idx.msk [tilespmem:v2+s3+$0x0], $0xffff  }
0x97: {  	v2 =	vld.idx.msk [tilespmem:v4+s3+$0x0], $0xffff;
	[tilespmem:s22+$0x30] =	vst v6  }
0x98: {  	s24 =	sadd.s32 $0x80, s24;
	v4 =	vld.idx.msk [tilespmem:v7+s3+$0x0], $0xffff;
	[tilespmem:s22+$0xFFFFFFD0] =	vst v8  }
0x99: {  	[tilespmem:s22+$0xFFFFFFE0] =	vst v5  }
0x9a: {  	[tilespmem:s22+$0xFFFFFFF0] =	vst v3  }
0x9b: {  	[tilespmem:s22+$0x0] =	vst v0  }
0x9c: {  	[tilespmem:s22+$0x10] =	vst v1  }
0x9d: {  	s23 =	simm.s32 $0x1C700;
	[tilespmem:s22+$0x20] =	vst v2  }
0x9e: {  	s25 =	sadd.s32 $0x0, s7;
	s24 =	simm.s32 $0x1C800;
	[tilespmem:s22+$0xFFFFFFC0] =	vst v4;
	s22 =	simm.s32 $0x80  }
.LBB2_12:
0x9f: {  	[hbm4b:s25+s3] =	stream.linear.scatter [tilespmem:s23], [sflag:$0x3], $0x80, $0x38;
	[tilespmem:$0x1E700] =	vst v63  }
0xa0: {  	s25 =	smov.u32 s22;
	s23 =	smov.u32 s24;
	p0 =	sne.s32 s22, $0xF80  }
.Ltmp5:
0xa1: {  	s22 =	sadd.s32 $0x80, s22;
	(pc) =	sbr.rel @p0 .LBB2_12-.Ltmp5, $2  }
0xa2: {  	_ =	sdelay $0x2  }
0xa3: {  	s24 =	sadd.s32 $0x100, s24;
	s25 =	sadd.s32 s25, s7  }
0xa4: {  	[hbm4b:s25+s3] =	stream.linear.scatter [tilespmem:s23], [sflag:$0x3], $0x80, $0x38;
	[tilespmem:$0x1E700] =	vst v63  }
0xa5: {  	_ =	swait.ge [sflag:s20], $0x1000  }
0xa6: {  	[sflag:s20] =	ssyncset.done $0x0  }
0xa7: {  	s22 =	simm.s32 $0x1B770;
	[sflag:s20] =	ssyncadd.s32 $0xFFFFF000  }
0xa8: {  	v0 =	vld [tilespmem:s22+$0x0]  }
0xa9: {  	v1 =	vld [tilespmem:s22+$0xFFFFFFA0]  }
0xaa: {  	v2 =	vld [tilespmem:s22+$0xFFFFFFB0]  }
0xab: {  	v3 =	vld [tilespmem:s22+$0xFFFFFFC0]  }
0xac: {  	v4 =	vld [tilespmem:s22+$0xFFFFFFD0]  }
0xad: {  	v6 =	vld [tilespmem:s22+$0xFFFFFFE0]  }
0xae: {  	v7 =	vld [tilespmem:s22+$0xFFFFFFF0]  }
0xaf: {  	v8 =	vld [tilespmem:s22+$0xFFFFFF90]  }
0xb0: {  	v9 =	vld.idx.msk [tilespmem:v0+s3+$0x0], $0xffff  }
0xb1: {  	v10 =	vld.idx.msk [tilespmem:v1+s3+$0x0], $0xffff  }
0xb2: {  	v5 =	vld.idx.msk [tilespmem:v2+s3+$0x0], $0xffff  }
0xb3: {  	v3 =	vld.idx.msk [tilespmem:v3+s3+$0x0], $0xffff  }
0xb4: {  	v0 =	vld.idx.msk [tilespmem:v4+s3+$0x0], $0xffff  }
0xb5: {  	s22 =	simm.s32 $0x1C7F0;
	v1 =	vld.idx.msk [tilespmem:v6+s3+$0x0], $0xffff  }
0xb6: {  	v2 =	vld.idx.msk [tilespmem:v7+s3+$0x0], $0xffff;
	[tilespmem:s22+$0x0] =	vst v9  }
0xb7: {  	s23 =	simm.s32 $0x0;
	s24 =	simm.s32 $0x1B7F0;
	v4 =	vld.idx.msk [tilespmem:v8+s3+$0x0], $0xffff;
	[tilespmem:s22+$0xFFFFFFA0] =	vst v10  }
.LBB2_14:
0xb8: {  	v6 =	vld [tilespmem:s24+$0x0];
	s23 =	sadd.s32 $0x8, s23;
	[tilespmem:s22+$0xFFFFFFB0] =	vst v5  }
0xb9: {  	v5 =	vld [tilespmem:s24+$0xFFFFFFA0];
	p0 =	slt.u32 s23, $0xF8;
	[tilespmem:s22+$0xFFFFFFC0] =	vst v3  }
0xba: {  	v3 =	vld [tilespmem:s24+$0xFFFFFFB0];
	[tilespmem:s22+$0xFFFFFFD0] =	vst v0  }
0xbb: {  	v0 =	vld [tilespmem:s24+$0xFFFFFFC0];
	[tilespmem:s22+$0xFFFFFFE0] =	vst v1  }
0xbc: {  	v1 =	vld [tilespmem:s24+$0xFFFFFFD0];
	[tilespmem:s22+$0xFFFFFFF0] =	vst v2  }
0xbd: {  	v2 =	vld [tilespmem:s24+$0xFFFFFFE0];
	[tilespmem:s22+$0xFFFFFF90] =	vst v4  }
0xbe: {  	v4 =	vld [tilespmem:s24+$0xFFFFFFF0]  }
0xbf: {  	v7 =	vld [tilespmem:s24+$0xFFFFFF90]  }
0xc0: {  	v6 =	vld.idx.msk [tilespmem:v6+s3+$0x0], $0xffff  }
0xc1: {  	v8 =	vld.idx.msk [tilespmem:v5+s3+$0x0], $0xffff  }
0xc2: {  	v5 =	vld.idx.msk [tilespmem:v3+s3+$0x0], $0xffff  }
.Ltmp6:
0xc3: {  	v3 =	vld.idx.msk [tilespmem:v0+s3+$0x0], $0xffff;
	(pc) =	sbr.rel @p0 .LBB2_14-.Ltmp6, $4  }
0xc4: {  	v0 =	vld.idx.msk [tilespmem:v1+s3+$0x0], $0xffff  }
0xc5: {  	s22 =	sadd.s32 $0x100, s22;
	v1 =	vld.idx.msk [tilespmem:v2+s3+$0x0], $0xffff  }
0xc6: {  	v2 =	vld.idx.msk [tilespmem:v4+s3+$0x0], $0xffff;
	[tilespmem:s22+$0x0] =	vst v6  }
0xc7: {  	s24 =	sadd.s32 $0x80, s24;
	v4 =	vld.idx.msk [tilespmem:v7+s3+$0x0], $0xffff;
	[tilespmem:s22+$0xFFFFFFA0] =	vst v8  }
0xc8: {  	[tilespmem:s22+$0xFFFFFFB0] =	vst v5  }
0xc9: {  	[tilespmem:s22+$0xFFFFFFC0] =	vst v3  }
0xca: {  	[tilespmem:s22+$0xFFFFFFD0] =	vst v0  }
0xcb: {  	[tilespmem:s22+$0xFFFFFFE0] =	vst v1  }
0xcc: {  	s31 =	simm.s32 $0x0;
	s23 =	simm.s32 $0x80;
	[tilespmem:s22+$0xFFFFFFF0] =	vst v2  }
0xcd: {  	s25 =	sadd.s32 $0x0, s9;
	s24 =	simm.s32 $0x1C880;
	[tilespmem:s22+$0xFFFFFF90] =	vst v4;
	s22 =	simm.s32 $0x1C780  }
0xce: {  	[tilespmem:s31], [sflag:$0x2] =	stream.strided.gather [hbm4b:s8+s16], $0x18700, s17, s16, $0x38;
	[tilespmem:$0x1E700] =	vst v63  }
.LBB2_16:
0xcf: {  	[hbm4b:s25+s3] =	stream.linear.scatter [tilespmem:s22], [sflag:$0x3], $0x80, $0x38;
	[tilespmem:$0x1E700] =	vst v63  }
0xd0: {  	s25 =	smov.u32 s23;
	s22 =	smov.u32 s24;
	p0 =	sne.s32 s23, $0xF80  }
.Ltmp7:
0xd1: {  	s23 =	sadd.s32 $0x80, s23;
	(pc) =	sbr.rel @p0 .LBB2_16-.Ltmp7, $2  }
0xd2: {  	_ =	sdelay $0x2  }
0xd3: {  	s24 =	sadd.s32 $0x100, s24;
	s25 =	sadd.s32 s25, s9  }
0xd4: {  	[hbm4b:s25+s3] =	stream.linear.scatter [tilespmem:s22], [sflag:$0x3], $0x80, $0x38;
	[tilespmem:$0x1E700] =	vst v63  }
0xd5: {  	_ =	swait.ge [sflag:s19], $0x18700  }
0xd6: {  	[sflag:s19] =	ssyncset.done $0x0  }
0xd7: {  	[sflag:s19] =	ssyncadd.s32 $0xFFFE7900  }
0xd8: {  	_ =	swait.ge [sflag:s20], $0x1000  }
0xd9: {  	[sflag:s20] =	ssyncset.done $0x0  }
0xda: {  	s31 =	simm.s32 $0x18740;
	[sflag:s20] =	ssyncadd.s32 $0xFFFFF000  }
0xdb: {  	v0 =	vld [tilespmem:s31+$0x30]  }
0xdc: {  	v1 =	vld [tilespmem:s31+$0xFFFFFFD0]  }
0xdd: {  	v2 =	vld [tilespmem:s31+$0xFFFFFFE0]  }
0xde: {  	v3 =	vld [tilespmem:s31+$0xFFFFFFF0]  }
0xdf: {  	v4 =	vld [tilespmem:s31+$0x0]  }
0xe0: {  	v6 =	vld [tilespmem:s31+$0x10]  }
0xe1: {  	v7 =	vld [tilespmem:s31+$0x20]  }
0xe2: {  	v8 =	vld [tilespmem:s31+$0xFFFFFFC0]  }
0xe3: {  	v9 =	vld.idx.msk [tilespmem:v0+s3+$0x0], $0xffff  }
0xe4: {  	v10 =	vld.idx.msk [tilespmem:v1+s3+$0x0], $0xffff  }
0xe5: {  	v5 =	vld.idx.msk [tilespmem:v2+s3+$0x0], $0xffff  }
0xe6: {  	v3 =	vld.idx.msk [tilespmem:v3+s3+$0x0], $0xffff  }
0xe7: {  	v0 =	vld.idx.msk [tilespmem:v4+s3+$0x0], $0xffff  }
0xe8: {  	s22 =	simm.s32 $0x1C740;
	v1 =	vld.idx.msk [tilespmem:v6+s3+$0x0], $0xffff  }
0xe9: {  	v2 =	vld.idx.msk [tilespmem:v7+s3+$0x0], $0xffff;
	[tilespmem:s22+$0x30] =	vst v9  }
0xea: {  	s23 =	simm.s32 $0x0;
	s24 =	simm.s32 $0x187C0;
	v4 =	vld.idx.msk [tilespmem:v8+s3+$0x0], $0xffff;
	[tilespmem:s22+$0xFFFFFFD0] =	vst v10  }
.LBB2_18:
0xeb: {  	v6 =	vld [tilespmem:s24+$0x30];
	s23 =	sadd.s32 $0x8, s23;
	[tilespmem:s22+$0xFFFFFFE0] =	vst v5  }
0xec: {  	v5 =	vld [tilespmem:s24+$0xFFFFFFD0];
	p0 =	slt.u32 s23, $0xF8;
	[tilespmem:s22+$0xFFFFFFF0] =	vst v3  }
0xed: {  	v3 =	vld [tilespmem:s24+$0xFFFFFFE0];
	[tilespmem:s22+$0x0] =	vst v0  }
0xee: {  	v0 =	vld [tilespmem:s24+$0xFFFFFFF0];
	[tilespmem:s22+$0x10] =	vst v1  }
0xef: {  	v1 =	vld [tilespmem:s24+$0x0];
	[tilespmem:s22+$0x20] =	vst v2  }
0xf0: {  	v2 =	vld [tilespmem:s24+$0x10];
	[tilespmem:s22+$0xFFFFFFC0] =	vst v4  }
0xf1: {  	v4 =	vld [tilespmem:s24+$0x20]  }
0xf2: {  	v7 =	vld [tilespmem:s24+$0xFFFFFFC0]  }
0xf3: {  	v6 =	vld.idx.msk [tilespmem:v6+s3+$0x0], $0xffff  }
0xf4: {  	v8 =	vld.idx.msk [tilespmem:v5+s3+$0x0], $0xffff  }
0xf5: {  	v5 =	vld.idx.msk [tilespmem:v3+s3+$0x0], $0xffff  }
.Ltmp8:
0xf6: {  	v3 =	vld.idx.msk [tilespmem:v0+s3+$0x0], $0xffff;
	(pc) =	sbr.rel @p0 .LBB2_18-.Ltmp8, $4  }
0xf7: {  	v0 =	vld.idx.msk [tilespmem:v1+s3+$0x0], $0xffff  }
0xf8: {  	s22 =	sadd.s32 $0x100, s22;
	v1 =	vld.idx.msk [tilespmem:v2+s3+$0x0], $0xffff  }
0xf9: {  	v2 =	vld.idx.msk [tilespmem:v4+s3+$0x0], $0xffff;
	[tilespmem:s22+$0x30] =	vst v6  }
0xfa: {  	s24 =	sadd.s32 $0x80, s24;
	v4 =	vld.idx.msk [tilespmem:v7+s3+$0x0], $0xffff;
	[tilespmem:s22+$0xFFFFFFD0] =	vst v8  }
0xfb: {  	[tilespmem:s22+$0xFFFFFFE0] =	vst v5  }
0xfc: {  	[tilespmem:s22+$0xFFFFFFF0] =	vst v3  }
0xfd: {  	[tilespmem:s22+$0x0] =	vst v0  }
0xfe: {  	[tilespmem:s22+$0x10] =	vst v1  }
0xff: {  	s23 =	simm.s32 $0x1C700;
	[tilespmem:s22+$0x20] =	vst v2  }
0x100: {  	s25 =	sadd.s32 $0x0, s10;
	s24 =	simm.s32 $0x1C800;
	[tilespmem:s22+$0xFFFFFFC0] =	vst v4;
	s22 =	simm.s32 $0x80  }
.LBB2_20:
0x101: {  	[hbm4b:s25+s3] =	stream.linear.scatter [tilespmem:s23], [sflag:$0x3], $0x80, $0x38;
	[tilespmem:$0x1E700] =	vst v63  }
0x102: {  	s25 =	smov.u32 s22;
	s23 =	smov.u32 s24;
	p0 =	sne.s32 s22, $0xF80  }
.Ltmp9:
0x103: {  	s22 =	sadd.s32 $0x80, s22;
	(pc) =	sbr.rel @p0 .LBB2_20-.Ltmp9, $2  }
0x104: {  	_ =	sdelay $0x2  }
0x105: {  	s24 =	sadd.s32 $0x100, s24;
	s25 =	sadd.s32 s25, s10  }
0x106: {  	[hbm4b:s25+s3] =	stream.linear.scatter [tilespmem:s23], [sflag:$0x3], $0x80, $0x38;
	[tilespmem:$0x1E700] =	vst v63  }
0x107: {  	_ =	swait.ge [sflag:s20], $0x1000  }
0x108: {  	[sflag:s20] =	ssyncset.done $0x0  }
0x109: {  	s22 =	simm.s32 $0x19770;
	[sflag:s20] =	ssyncadd.s32 $0xFFFFF000  }
0x10a: {  	v0 =	vld [tilespmem:s22+$0x0]  }
0x10b: {  	v1 =	vld [tilespmem:s22+$0xFFFFFFA0]  }
0x10c: {  	v2 =	vld [tilespmem:s22+$0xFFFFFFB0]  }
0x10d: {  	v3 =	vld [tilespmem:s22+$0xFFFFFFC0]  }
0x10e: {  	v4 =	vld [tilespmem:s22+$0xFFFFFFD0]  }
0x10f: {  	v6 =	vld [tilespmem:s22+$0xFFFFFFE0]  }
0x110: {  	v7 =	vld [tilespmem:s22+$0xFFFFFFF0]  }
0x111: {  	v8 =	vld [tilespmem:s22+$0xFFFFFF90]  }
0x112: {  	v9 =	vld.idx.msk [tilespmem:v0+s3+$0x0], $0xffff  }
0x113: {  	v10 =	vld.idx.msk [tilespmem:v1+s3+$0x0], $0xffff  }
0x114: {  	v5 =	vld.idx.msk [tilespmem:v2+s3+$0x0], $0xffff  }
0x115: {  	v3 =	vld.idx.msk [tilespmem:v3+s3+$0x0], $0xffff  }
0x116: {  	v0 =	vld.idx.msk [tilespmem:v4+s3+$0x0], $0xffff  }
0x117: {  	s22 =	simm.s32 $0x1C7F0;
	v1 =	vld.idx.msk [tilespmem:v6+s3+$0x0], $0xffff  }
0x118: {  	v2 =	vld.idx.msk [tilespmem:v7+s3+$0x0], $0xffff;
	[tilespmem:s22+$0x0] =	vst v9  }
0x119: {  	s23 =	simm.s32 $0x0;
	s24 =	simm.s32 $0x197F0;
	v4 =	vld.idx.msk [tilespmem:v8+s3+$0x0], $0xffff;
	[tilespmem:s22+$0xFFFFFFA0] =	vst v10  }
.LBB2_22:
0x11a: {  	v6 =	vld [tilespmem:s24+$0x0];
	s23 =	sadd.s32 $0x8, s23;
	[tilespmem:s22+$0xFFFFFFB0] =	vst v5  }
0x11b: {  	v5 =	vld [tilespmem:s24+$0xFFFFFFA0];
	p0 =	slt.u32 s23, $0xF8;
	[tilespmem:s22+$0xFFFFFFC0] =	vst v3  }
0x11c: {  	v3 =	vld [tilespmem:s24+$0xFFFFFFB0];
	[tilespmem:s22+$0xFFFFFFD0] =	vst v0  }
0x11d: {  	v0 =	vld [tilespmem:s24+$0xFFFFFFC0];
	[tilespmem:s22+$0xFFFFFFE0] =	vst v1  }
0x11e: {  	v1 =	vld [tilespmem:s24+$0xFFFFFFD0];
	[tilespmem:s22+$0xFFFFFFF0] =	vst v2  }
0x11f: {  	v2 =	vld [tilespmem:s24+$0xFFFFFFE0];
	[tilespmem:s22+$0xFFFFFF90] =	vst v4  }
0x120: {  	v4 =	vld [tilespmem:s24+$0xFFFFFFF0]  }
0x121: {  	v7 =	vld [tilespmem:s24+$0xFFFFFF90]  }
0x122: {  	v6 =	vld.idx.msk [tilespmem:v6+s3+$0x0], $0xffff  }
0x123: {  	v8 =	vld.idx.msk [tilespmem:v5+s3+$0x0], $0xffff  }
0x124: {  	v5 =	vld.idx.msk [tilespmem:v3+s3+$0x0], $0xffff  }
.Ltmp10:
0x125: {  	v3 =	vld.idx.msk [tilespmem:v0+s3+$0x0], $0xffff;
	(pc) =	sbr.rel @p0 .LBB2_22-.Ltmp10, $4  }
0x126: {  	v0 =	vld.idx.msk [tilespmem:v1+s3+$0x0], $0xffff  }
0x127: {  	s22 =	sadd.s32 $0x100, s22;
	v1 =	vld.idx.msk [tilespmem:v2+s3+$0x0], $0xffff  }
0x128: {  	v2 =	vld.idx.msk [tilespmem:v4+s3+$0x0], $0xffff;
	[tilespmem:s22+$0x0] =	vst v6  }
0x129: {  	s24 =	sadd.s32 $0x80, s24;
	v4 =	vld.idx.msk [tilespmem:v7+s3+$0x0], $0xffff;
	[tilespmem:s22+$0xFFFFFFA0] =	vst v8  }
0x12a: {  	[tilespmem:s22+$0xFFFFFFB0] =	vst v5  }
0x12b: {  	[tilespmem:s22+$0xFFFFFFC0] =	vst v3  }
0x12c: {  	[tilespmem:s22+$0xFFFFFFD0] =	vst v0  }
0x12d: {  	[tilespmem:s22+$0xFFFFFFE0] =	vst v1  }
0x12e: {  	s23 =	simm.s32 $0x1C780;
	[tilespmem:s22+$0xFFFFFFF0] =	vst v2  }
0x12f: {  	s25 =	sadd.s32 $0x0, s11;
	s24 =	simm.s32 $0x1C880;
	[tilespmem:s22+$0xFFFFFF90] =	vst v4;
	s22 =	simm.s32 $0x80  }
.LBB2_24:
0x130: {  	[hbm4b:s25+s3] =	stream.linear.scatter [tilespmem:s23], [sflag:$0x3], $0x80, $0x38;
	[tilespmem:$0x1E700] =	vst v63  }
0x131: {  	s25 =	smov.u32 s22;
	s23 =	smov.u32 s24;
	p0 =	sne.s32 s22, $0xF80  }
.Ltmp11:
0x132: {  	s22 =	sadd.s32 $0x80, s22;
	(pc) =	sbr.rel @p0 .LBB2_24-.Ltmp11, $2  }
0x133: {  	_ =	sdelay $0x2  }
0x134: {  	s24 =	sadd.s32 $0x100, s24;
	s25 =	sadd.s32 s25, s11  }
0x135: {  	[hbm4b:s25+s3] =	stream.linear.scatter [tilespmem:s23], [sflag:$0x3], $0x80, $0x38;
	[tilespmem:$0x1E700] =	vst v63  }
0x136: {  	_ =	swait.ge [sflag:s20], $0x1000  }
0x137: {  	[sflag:s20] =	ssyncset.done $0x0  }
0x138: {  	s22 =	simm.s32 $0x1A770;
	[sflag:s20] =	ssyncadd.s32 $0xFFFFF000  }
0x139: {  	v0 =	vld [tilespmem:s22+$0x0]  }
0x13a: {  	v1 =	vld [tilespmem:s22+$0xFFFFFFA0]  }
0x13b: {  	v2 =	vld [tilespmem:s22+$0xFFFFFFB0]  }
0x13c: {  	v3 =	vld [tilespmem:s22+$0xFFFFFFC0]  }
0x13d: {  	v4 =	vld [tilespmem:s22+$0xFFFFFFD0]  }
0x13e: {  	v6 =	vld [tilespmem:s22+$0xFFFFFFE0]  }
0x13f: {  	v7 =	vld [tilespmem:s22+$0xFFFFFFF0]  }
0x140: {  	v8 =	vld [tilespmem:s22+$0xFFFFFF90]  }
0x141: {  	v9 =	vld.idx.msk [tilespmem:v0+s3+$0x0], $0xffff  }
0x142: {  	v10 =	vld.idx.msk [tilespmem:v1+s3+$0x0], $0xffff  }
0x143: {  	v5 =	vld.idx.msk [tilespmem:v2+s3+$0x0], $0xffff  }
0x144: {  	v3 =	vld.idx.msk [tilespmem:v3+s3+$0x0], $0xffff  }
0x145: {  	v0 =	vld.idx.msk [tilespmem:v4+s3+$0x0], $0xffff  }
0x146: {  	s22 =	simm.s32 $0x1C740;
	v1 =	vld.idx.msk [tilespmem:v6+s3+$0x0], $0xffff  }
0x147: {  	v2 =	vld.idx.msk [tilespmem:v7+s3+$0x0], $0xffff;
	[tilespmem:s22+$0x30] =	vst v9  }
0x148: {  	s23 =	simm.s32 $0x0;
	s24 =	simm.s32 $0x1A7F0;
	v4 =	vld.idx.msk [tilespmem:v8+s3+$0x0], $0xffff;
	[tilespmem:s22+$0xFFFFFFD0] =	vst v10  }
.LBB2_26:
0x149: {  	v6 =	vld [tilespmem:s24+$0x0];
	s23 =	sadd.s32 $0x8, s23;
	[tilespmem:s22+$0xFFFFFFE0] =	vst v5  }
0x14a: {  	v5 =	vld [tilespmem:s24+$0xFFFFFFA0];
	p0 =	slt.u32 s23, $0xF8;
	[tilespmem:s22+$0xFFFFFFF0] =	vst v3  }
0x14b: {  	v3 =	vld [tilespmem:s24+$0xFFFFFFB0];
	[tilespmem:s22+$0x0] =	vst v0  }
0x14c: {  	v0 =	vld [tilespmem:s24+$0xFFFFFFC0];
	[tilespmem:s22+$0x10] =	vst v1  }
0x14d: {  	v1 =	vld [tilespmem:s24+$0xFFFFFFD0];
	[tilespmem:s22+$0x20] =	vst v2  }
0x14e: {  	v2 =	vld [tilespmem:s24+$0xFFFFFFE0];
	[tilespmem:s22+$0xFFFFFFC0] =	vst v4  }
0x14f: {  	v4 =	vld [tilespmem:s24+$0xFFFFFFF0]  }
0x150: {  	v7 =	vld [tilespmem:s24+$0xFFFFFF90]  }
0x151: {  	v6 =	vld.idx.msk [tilespmem:v6+s3+$0x0], $0xffff  }
0x152: {  	v8 =	vld.idx.msk [tilespmem:v5+s3+$0x0], $0xffff  }
0x153: {  	v5 =	vld.idx.msk [tilespmem:v3+s3+$0x0], $0xffff  }
.Ltmp12:
0x154: {  	v3 =	vld.idx.msk [tilespmem:v0+s3+$0x0], $0xffff;
	(pc) =	sbr.rel @p0 .LBB2_26-.Ltmp12, $4  }
0x155: {  	v0 =	vld.idx.msk [tilespmem:v1+s3+$0x0], $0xffff  }
0x156: {  	s22 =	sadd.s32 $0x100, s22;
	v1 =	vld.idx.msk [tilespmem:v2+s3+$0x0], $0xffff  }
0x157: {  	v2 =	vld.idx.msk [tilespmem:v4+s3+$0x0], $0xffff;
	[tilespmem:s22+$0x30] =	vst v6  }
0x158: {  	s24 =	sadd.s32 $0x80, s24;
	v4 =	vld.idx.msk [tilespmem:v7+s3+$0x0], $0xffff;
	[tilespmem:s22+$0xFFFFFFD0] =	vst v8  }
0x159: {  	[tilespmem:s22+$0xFFFFFFE0] =	vst v5  }
0x15a: {  	[tilespmem:s22+$0xFFFFFFF0] =	vst v3  }
0x15b: {  	[tilespmem:s22+$0x0] =	vst v0  }
0x15c: {  	[tilespmem:s22+$0x10] =	vst v1  }
0x15d: {  	s23 =	simm.s32 $0x1C700;
	[tilespmem:s22+$0x20] =	vst v2  }
0x15e: {  	s25 =	sadd.s32 $0x0, s12;
	s24 =	simm.s32 $0x1C800;
	[tilespmem:s22+$0xFFFFFFC0] =	vst v4;
	s22 =	simm.s32 $0x80  }
.LBB2_28:
0x15f: {  	[hbm4b:s25+s3] =	stream.linear.scatter [tilespmem:s23], [sflag:$0x3], $0x80, $0x38;
	[tilespmem:$0x1E700] =	vst v63  }
0x160: {  	s25 =	smov.u32 s22;
	s23 =	smov.u32 s24;
	p0 =	sne.s32 s22, $0xF80  }
.Ltmp13:
0x161: {  	s22 =	sadd.s32 $0x80, s22;
	(pc) =	sbr.rel @p0 .LBB2_28-.Ltmp13, $2  }
0x162: {  	_ =	sdelay $0x2  }
0x163: {  	s24 =	sadd.s32 $0x100, s24;
	s25 =	sadd.s32 s25, s12  }
0x164: {  	[hbm4b:s25+s3] =	stream.linear.scatter [tilespmem:s23], [sflag:$0x3], $0x80, $0x38;
	[tilespmem:$0x1E700] =	vst v63  }
0x165: {  	_ =	swait.ge [sflag:s20], $0x1000  }
0x166: {  	[sflag:s20] =	ssyncset.done $0x0  }
0x167: {  	s22 =	simm.s32 $0x1B770;
	[sflag:s20] =	ssyncadd.s32 $0xFFFFF000  }
0x168: {  	v0 =	vld [tilespmem:s22+$0x0]  }
0x169: {  	v1 =	vld [tilespmem:s22+$0xFFFFFFA0]  }
0x16a: {  	v2 =	vld [tilespmem:s22+$0xFFFFFFB0]  }
0x16b: {  	v3 =	vld [tilespmem:s22+$0xFFFFFFC0]  }
0x16c: {  	v4 =	vld [tilespmem:s22+$0xFFFFFFD0]  }
0x16d: {  	v6 =	vld [tilespmem:s22+$0xFFFFFFE0]  }
0x16e: {  	v7 =	vld [tilespmem:s22+$0xFFFFFFF0]  }
0x16f: {  	v8 =	vld [tilespmem:s22+$0xFFFFFF90]  }
0x170: {  	v9 =	vld.idx.msk [tilespmem:v0+s3+$0x0], $0xffff  }
0x171: {  	v10 =	vld.idx.msk [tilespmem:v1+s3+$0x0], $0xffff  }
0x172: {  	v5 =	vld.idx.msk [tilespmem:v2+s3+$0x0], $0xffff  }
0x173: {  	v3 =	vld.idx.msk [tilespmem:v3+s3+$0x0], $0xffff  }
0x174: {  	v0 =	vld.idx.msk [tilespmem:v4+s3+$0x0], $0xffff  }
0x175: {  	s22 =	simm.s32 $0x1C7F0;
	v1 =	vld.idx.msk [tilespmem:v6+s3+$0x0], $0xffff  }
0x176: {  	v2 =	vld.idx.msk [tilespmem:v7+s3+$0x0], $0xffff;
	[tilespmem:s22+$0x0] =	vst v9  }
0x177: {  	s23 =	simm.s32 $0x0;
	s24 =	simm.s32 $0x1B7F0;
	v4 =	vld.idx.msk [tilespmem:v8+s3+$0x0], $0xffff;
	[tilespmem:s22+$0xFFFFFFA0] =	vst v10  }
.LBB2_30:
0x178: {  	v6 =	vld [tilespmem:s24+$0x0];
	s23 =	sadd.s32 $0x8, s23;
	[tilespmem:s22+$0xFFFFFFB0] =	vst v5  }
0x179: {  	v5 =	vld [tilespmem:s24+$0xFFFFFFA0];
	p0 =	slt.u32 s23, $0xF8;
	[tilespmem:s22+$0xFFFFFFC0] =	vst v3  }
0x17a: {  	v3 =	vld [tilespmem:s24+$0xFFFFFFB0];
	[tilespmem:s22+$0xFFFFFFD0] =	vst v0  }
0x17b: {  	v0 =	vld [tilespmem:s24+$0xFFFFFFC0];
	[tilespmem:s22+$0xFFFFFFE0] =	vst v1  }
0x17c: {  	v1 =	vld [tilespmem:s24+$0xFFFFFFD0];
	[tilespmem:s22+$0xFFFFFFF0] =	vst v2  }
0x17d: {  	v2 =	vld [tilespmem:s24+$0xFFFFFFE0];
	[tilespmem:s22+$0xFFFFFF90] =	vst v4  }
0x17e: {  	v4 =	vld [tilespmem:s24+$0xFFFFFFF0]  }
0x17f: {  	v7 =	vld [tilespmem:s24+$0xFFFFFF90]  }
0x180: {  	v6 =	vld.idx.msk [tilespmem:v6+s3+$0x0], $0xffff  }
0x181: {  	v8 =	vld.idx.msk [tilespmem:v5+s3+$0x0], $0xffff  }
0x182: {  	v5 =	vld.idx.msk [tilespmem:v3+s3+$0x0], $0xffff  }
.Ltmp14:
0x183: {  	v3 =	vld.idx.msk [tilespmem:v0+s3+$0x0], $0xffff;
	(pc) =	sbr.rel @p0 .LBB2_30-.Ltmp14, $4  }
0x184: {  	v0 =	vld.idx.msk [tilespmem:v1+s3+$0x0], $0xffff  }
0x185: {  	s22 =	sadd.s32 $0x100, s22;
	v1 =	vld.idx.msk [tilespmem:v2+s3+$0x0], $0xffff  }
0x186: {  	v2 =	vld.idx.msk [tilespmem:v4+s3+$0x0], $0xffff;
	[tilespmem:s22+$0x0] =	vst v6  }
0x187: {  	s24 =	sadd.s32 $0x80, s24;
	v4 =	vld.idx.msk [tilespmem:v7+s3+$0x0], $0xffff;
	[tilespmem:s22+$0xFFFFFFA0] =	vst v8  }
0x188: {  	[tilespmem:s22+$0xFFFFFFB0] =	vst v5  }
0x189: {  	[tilespmem:s22+$0xFFFFFFC0] =	vst v3  }
0x18a: {  	[tilespmem:s22+$0xFFFFFFD0] =	vst v0  }
0x18b: {  	[tilespmem:s22+$0xFFFFFFE0] =	vst v1  }
0x18c: {  	s23 =	simm.s32 $0x1C780;
	[tilespmem:s22+$0xFFFFFFF0] =	vst v2  }
0x18d: {  	s25 =	sadd.s32 $0x0, s13;
	s24 =	simm.s32 $0x1C880;
	[tilespmem:s22+$0xFFFFFF90] =	vst v4;
	s22 =	simm.s32 $0x80  }
.LBB2_32:
0x18e: {  	[hbm4b:s25+s3] =	stream.linear.scatter [tilespmem:s23], [sflag:$0x3], $0x80, $0x38;
	[tilespmem:$0x1E700] =	vst v63  }
0x18f: {  	s25 =	smov.u32 s22;
	s23 =	smov.u32 s24;
	p0 =	sne.s32 s22, $0xF80  }
.Ltmp15:
0x190: {  	s22 =	sadd.s32 $0x80, s22;
	(pc) =	sbr.rel @p0 .LBB2_32-.Ltmp15, $2  }
0x191: {  	_ =	sdelay $0x2  }
0x192: {  	s24 =	sadd.s32 $0x100, s24;
	s25 =	sadd.s32 s25, s13  }
0x193: {  	[hbm4b:s25+s3] =	stream.linear.scatter [tilespmem:s23], [sflag:$0x3], $0x80, $0x38;
	[tilespmem:$0x1E700] =	vst v63  }
0x194: {  	s21 =	sadd.s32 $0x1, s21  }
0x195: {  	_ =	swait.ge [sflag:s20], $0x1000;
	p0 =	sne.s32 s21, s14  }
.Ltmp16:
0x196: {  	[sflag:s20] =	ssyncset.done $0x0;
	(pc) =	sbr.rel @p0 .LBB2_1-.Ltmp16, $4  }
0x197: {  	[sflag:s20] =	ssyncadd.s32 $0xFFFFF000  }
0x198: {  	_ =	swait.ge [sflag:s20], $0x1000  }
0x199: {  	[sflag:s20] =	ssyncset.done $0x0  }
0x19a: {  	[sflag:s20] =	ssyncadd.s32 $0xFFFFF000  }
0x19b: {  	_ =	sfence.sel $0x180000  }
0x19c: {  	[bflag:$0x0] =	sbarrier.arrive $0xFFFF  }
0x19d: {  	p0 =	sne.s32 s2, $0x0;
	_ =	strace $0x90000047  }
0x19e: {  	s0 =	sadd.s32 @!p0 $0x100000, s0;
	[bflag:$0x2] =	sbarrier.arrive $0xFFFF  }
0x19f: {  	[sflag:s0] =	ssyncadd.tile.s32 @!p0 $0x1;
	_ =	shalt  }
.Lfunc_end2:
_tile_overlayer_lowered:
.L_overlay_start_2:
0x1a0: {  	(tag) =	ssettag $0x2  }
0x1a1: {  	s0 =	rddreg [dreg:$0x0];
	s2 =	stileid.u32  }
0x1a2: {  	s1 =	rddreg [dreg:$0x1];
	p0 =	sne.s32 s2, $0x0  }
0x1a3: {  	s3 =	rddreg [dreg:$0x2];
	[bflag:$0x3] =	sbarrier.arrive $0xFFFF;
	s2 =	simm.s32 @!p0 $0x1C04  }
0x1a4: {  	[timem:s3], [sflag:s2] =	dma.local @!p0 [hbm:s0], s1  }
0x1a5: {  	s0 =	simm.s32 @!p0 $0x4  }
0x1a6: {  	_ =	swait.ge @!p0 [sflag:s0], s1  }
0x1a7: {  	s1 =	ssub.s32 @!p0 $0x0, s1;
	[sflag:s0] =	ssyncset.done @!p0 $0x0  }
0x1a8: {  	[sflag:s0] =	ssyncadd.s32 @!p0 s1  }
0x1a9: {  	[bflag:$0x3] =	sbarrier.arrive $0xFFFF  }
0x1aa: {  	_ =	shalt  }

</sc_bundles>
